<compile_context>
chip_gen: v7x
topology: tpu7x:2x2x1
jax: 0.10.2.dev20260603
libtpu: 0.0.44.dev20260713+nightly
codegen_flags: <defaults>
</compile_context>

<pallas_src>
import jax
import jax.numpy as jnp
from jax import lax
from jax.experimental import pallas as pl
from jax.experimental.pallas import tpu as pltpu
from jax.experimental.pallas import tpu_sc as plsc
from jax.experimental.layout import Layout, with_layout_constraint

SEG = 1000
PAD_SEG = 1024
EMB = 64
SCALE = float(EMB) ** 0.5
NC = 2
NS = 16
NW = NC * NS
CHUNK = 128
NBUF = 4
ROWS_PER_SUB = PAD_SEG // NS


def _body(word_hbm, table_hbm, out_hbm, scaled_hbm, idx_v, rows_v, tbl_v,
          gsem, osem):
    c = lax.axis_index("c")
    s = lax.axis_index("s")
    wid = c * NS + s

    row0 = s * ROWS_PER_SUB
    pltpu.sync_copy(table_hbm.at[pl.ds(row0, ROWS_PER_SUB)], tbl_v)

    def scale_row(r, carry):
        for j in range(EMB // 16):
            tbl_v[r, pl.ds(j * 16, 16)] = tbl_v[r, pl.ds(j * 16, 16)] * SCALE
        return carry

    lax.fori_loop(0, ROWS_PER_SUB, scale_row, 0)
    pltpu.sync_copy(tbl_v, scaled_hbm.at[c].at[pl.ds(row0, ROWS_PER_SUB)])
    plsc.subcore_barrier()

    n_idx = word_hbm.shape[0]
    per_w = n_idx // NW
    n_chunks = per_w // CHUNK
    n_super = n_chunks // NBUF
    base = wid * per_w
    pltpu.sync_copy(word_hbm.at[pl.ds(base, per_w)], idx_v)

    def start_gather(g, b):
        idx_slice = idx_v.at[pl.ds(g * CHUNK, CHUNK)]
        pltpu.async_copy(scaled_hbm.at[c].at[idx_slice],
                         rows_v.at[b], gsem.at[b])

    def wait_gather(b):
        pltpu.make_async_copy(scaled_hbm.at[c].at[idx_v.at[pl.ds(0, CHUNK)]],
                              rows_v.at[b], gsem.at[b]).wait()

    def start_out(g, b):
        pltpu.async_copy(rows_v.at[b],
                         out_hbm.at[pl.ds(base + g * CHUNK, CHUNK)],
                         osem.at[b])

    def wait_out(g, b):
        pltpu.make_async_copy(rows_v.at[b],
                              out_hbm.at[pl.ds(base + g * CHUNK, CHUNK)],
                              osem.at[b]).wait()

    for b in range(NBUF):
        start_gather(b, b)

    def super_body(t, carry):
        g0 = t * NBUF
        for b in range(NBUF):
            wait_gather(b)
            start_out(g0 + b, b)
        for b in range(NBUF):
            wait_out(g0 + b, b)
            start_gather(g0 + NBUF + b, b)
        return carry

    lax.fori_loop(0, n_super - 1, super_body, 0)

    g0 = (n_super - 1) * NBUF
    for b in range(NBUF):
        wait_gather(b)
        start_out(g0 + b, b)
    for b in range(NBUF):
        wait_out(g0 + b, b)


def _make_kernel(n_idx):
    mesh = plsc.VectorSubcoreMesh(core_axis_name="c", subcore_axis_name="s")
    per_w = n_idx // NW
    return pl.kernel(
        _body,
        mesh=mesh,
        out_type=jax.ShapeDtypeStruct((n_idx, EMB), jnp.float32),
        scratch_types=[
            pltpu.HBM((NC, PAD_SEG, EMB), jnp.float32),
            pltpu.VMEM((per_w,), jnp.int32),
            pltpu.VMEM((NBUF, CHUNK, EMB), jnp.float32),
            pltpu.VMEM((ROWS_PER_SUB, EMB), jnp.float32),
            pltpu.SemaphoreType.DMA((NBUF,)),
            pltpu.SemaphoreType.DMA((NBUF,)),
        ],
    )


@jax.jit
def kernel(word, seg_embedding_weight):
    batch, seq = word.shape
    word_flat = word.reshape(-1).astype(jnp.int32)
    table_pad = jnp.zeros((PAD_SEG, EMB), jnp.float32).at[:SEG, :].set(
        seg_embedding_weight)
    out = _make_kernel(batch * seq)(word_flat, table_pad)
    out = out.reshape(batch, seq, EMB)
    return with_layout_constraint(out, Layout(major_to_minor=(0, 1, 2)))

# --- scband reference (transcript-rebuilt; emitter-appended) ---
"""Pipeline reference for scband-segment-embedding-73272142070180 (READ-ONLY COPY).

The authoritative reference and input builder live on the scoring server;
editing this copy changes nothing except your own understanding.
"""

import jax, jax.numpy as jnp
import numpy as np

SEGMENT_SIZE = 1000
EMB_SIZE = 64
BATCH = 4096
SEQ = 200


def setup_inputs(seed: int = 0) -> dict:
    key = jax.random.key(seed)
    k_idx, k_w = jax.random.split(key)
    word = jax.random.randint(k_idx, (BATCH, SEQ), 0, SEGMENT_SIZE, dtype=jnp.int64 if jax.config.jax_enable_x64 else jnp.int32)
    # nn.Embedding weight initialized ~ N(0, emb_size**-0.5)
    seg_embedding_weight = jax.random.normal(k_w, (SEGMENT_SIZE, EMB_SIZE), dtype=jnp.float32) * (EMB_SIZE ** (-0.5))
    return {"word": word, "seg_embedding_weight": seg_embedding_weight}


def reference(word, seg_embedding_weight):
    seg_embedding = jnp.take(seg_embedding_weight, word, axis=0)
    seg_embedding = (EMB_SIZE ** 0.5) * seg_embedding
    return seg_embedding

if __name__ == "__main__":
    import jax
    _d = setup_inputs()
    print(jax.jit(kernel)(*tuple(_d.values())))

</pallas_src>

<mosaic_0001>
#map = affine_map<(d0, d1) -> (0)>
#map1 = affine_map<(d0, d1) -> (0, 0)>
module attributes {stable_mosaic.version = 14 : i64} {
  func.func @_body(%arg0: i32, %arg1: i32, %arg2: memref<819200xi32, #tpu.memory_space<hbm>>, %arg3: memref<1024x64xf32, #tpu.memory_space<hbm>>, %arg4: memref<819200x64xf32, #tpu.memory_space<hbm>>, %arg5: memref<2x1024x64xf32, #tpu.memory_space<hbm>>, %arg6: memref<25600xi32, #tpu.memory_space<vmem>>, %arg7: memref<4x128x64xf32, #tpu.memory_space<vmem>>, %arg8: memref<64x64xf32, #tpu.memory_space<vmem>>, %arg9: memref<4x!tpu.dma_semaphore, #tpu.memory_space<semaphore_mem>>, %arg10: memref<4x!tpu.dma_semaphore, #tpu.memory_space<semaphore_mem>>) attributes {dimension_semantics = [#tpu.dimension_semantics<core_parallel>, #tpu.dimension_semantics<subcore_parallel>], iteration_bounds = array<i64: 2, 16>, scalar_prefetch = 0 : i64, scratch_operands = 6 : i64, tpu.core_type = #tpu.core_type<sc_vector_subcore>, window_params = [{transform_indices = #map}, {transform_indices = #map1}, {transform_indices = #map1}]} {
    %mul3A = arith.constant 16 : i32
    %mul3A_0 = arith.muli %arg0, %mul3A : i32
    %add3A = arith.addi %mul3A_0, %arg1 : i32
    %mul3A_1 = arith.constant 64 : i32
    %mul3A_2 = arith.muli %arg1, %mul3A_1 : i32
    "tpu.region"() ({
      %run_scoped3A = tpu.sem_alloc : memref<!tpu.dma_semaphore, #tpu.memory_space<semaphore_mem>>
      %dma_start3A_294 = arith.constant 0 : i32
      %dma_start3A_295 = tpu.memref_slice %arg3[%mul3A_2, %dma_start3A_294] : memref<1024x64xf32, #tpu.memory_space<hbm>> -> memref<64x64xf32, #tpu.memory_space<hbm>>
      %dma_start3A_296 = arith.constant 0 : i32
      %dma_start3A_297 = tpu.memref_slice %arg3[%mul3A_2, %dma_start3A_296] : memref<1024x64xf32, #tpu.memory_space<hbm>> -> memref<64x64xf32, #tpu.memory_space<hbm>>
      tpu.enqueue_dma source(%dma_start3A_297 : memref<64x64xf32, #tpu.memory_space<hbm>>) target(%arg8 : memref<64x64xf32, #tpu.memory_space<vmem>>) target_semaphore(%run_scoped3A : memref<!tpu.dma_semaphore, #tpu.memory_space<semaphore_mem>>)
      %dma_wait3A_298 = arith.constant 0 : i32
      %dma_wait3A_299 = tpu.memref_slice %arg3[%mul3A_2, %dma_wait3A_298] : memref<1024x64xf32, #tpu.memory_space<hbm>> -> memref<64x64xf32, #tpu.memory_space<hbm>>
      %dma_wait3A_300 = arith.constant 0 : i32
      %dma_wait3A_301 = tpu.memref_slice %arg3[%mul3A_2, %dma_wait3A_300] : memref<1024x64xf32, #tpu.memory_space<hbm>> -> memref<64x64xf32, #tpu.memory_space<hbm>>
      tpu.wait_dma2 semaphore(%run_scoped3A : memref<!tpu.dma_semaphore, #tpu.memory_space<semaphore_mem>>) src(%dma_wait3A_301 : memref<64x64xf32, #tpu.memory_space<hbm>>) dst(%arg8 : memref<64x64xf32, #tpu.memory_space<vmem>>)
      tpu.yield
    }) : () -> ()
    %scan3A = arith.constant 0 : i32
    %scan3A_3 = arith.constant 0 : i32
    %scan3A_4 = arith.constant 64 : i32
    %scan3A_5 = arith.addi %scan3A_3, %scan3A_4 : i32
    %scan3A_6 = arith.constant 1 : i32
    scf.for %scan3A_294 = %scan3A_3 to %scan3A_5 step %scan3A_6  : i32 {
      %get3A = arith.index_cast %scan3A_294 : i32 to index
      %get3A_295 = arith.constant 0 : index
      %get3A_296 = tpu.vector_load %arg8[%get3A, %get3A_295] {strides = array<i32>} : memref<64x64xf32, #tpu.memory_space<vmem>>, vector<1x16xf32>,
      %get3A_297 = vector.shape_cast %get3A_296 : vector<1x16xf32> to vector<16xf32>
      %mul3A_298 = arith.constant 8.000000e+00 : f32
      %mul3A_299 = vector.broadcast %mul3A_298 : f32 to vector<16xf32>
      %mul3A_300 = arith.mulf %get3A_297, %mul3A_299 : vector<16xf32>
      %swap3A = arith.index_cast %scan3A_294 : i32 to index
      %swap3A_301 = arith.constant 0 : index
      %swap3A_302 = tpu.vector_load %arg8[%swap3A, %swap3A_301] {strides = array<i32>} : memref<64x64xf32, #tpu.memory_space<vmem>>, vector<1x16xf32>,
      %swap3A_303 = vector.shape_cast %swap3A_302 : vector<1x16xf32> to vector<16xf32>
      %swap3A_304 = vector.shape_cast %mul3A_300 : vector<16xf32> to vector<1x16xf32>
      tpu.vector_store %arg8[%swap3A, %swap3A_301], %swap3A_304 {strides = array<i32>} : memref<64x64xf32, #tpu.memory_space<vmem>>, vector<1x16xf32>,
      %get3A_305 = arith.index_cast %scan3A_294 : i32 to index
      %get3A_306 = arith.constant 16 : index
      %get3A_307 = tpu.vector_load %arg8[%get3A_305, %get3A_306] {strides = array<i32>} : memref<64x64xf32, #tpu.memory_space<vmem>>, vector<1x16xf32>,
      %get3A_308 = vector.shape_cast %get3A_307 : vector<1x16xf32> to vector<16xf32>
      %mul3A_309 = arith.constant 8.000000e+00 : f32
      %mul3A_310 = vector.broadcast %mul3A_309 : f32 to vector<16xf32>
      %mul3A_311 = arith.mulf %get3A_308, %mul3A_310 : vector<16xf32>
      %swap3A_312 = arith.index_cast %scan3A_294 : i32 to index
      %swap3A_313 = arith.constant 16 : index
      %swap3A_314 = tpu.vector_load %arg8[%swap3A_312, %swap3A_313] {strides = array<i32>} : memref<64x64xf32, #tpu.memory_space<vmem>>, vector<1x16xf32>,
      %swap3A_315 = vector.shape_cast %swap3A_314 : vector<1x16xf32> to vector<16xf32>
      %swap3A_316 = vector.shape_cast %mul3A_311 : vector<16xf32> to vector<1x16xf32>
      tpu.vector_store %arg8[%swap3A_312, %swap3A_313], %swap3A_316 {strides = array<i32>} : memref<64x64xf32, #tpu.memory_space<vmem>>, vector<1x16xf32>,
      %get3A_317 = arith.index_cast %scan3A_294 : i32 to index
      %get3A_318 = arith.constant 32 : index
      %get3A_319 = tpu.vector_load %arg8[%get3A_317, %get3A_318] {strides = array<i32>} : memref<64x64xf32, #tpu.memory_space<vmem>>, vector<1x16xf32>,
      %get3A_320 = vector.shape_cast %get3A_319 : vector<1x16xf32> to vector<16xf32>
      %mul3A_321 = arith.constant 8.000000e+00 : f32
      %mul3A_322 = vector.broadcast %mul3A_321 : f32 to vector<16xf32>
      %mul3A_323 = arith.mulf %get3A_320, %mul3A_322 : vector<16xf32>
      %swap3A_324 = arith.index_cast %scan3A_294 : i32 to index
      %swap3A_325 = arith.constant 32 : index
      %swap3A_326 = tpu.vector_load %arg8[%swap3A_324, %swap3A_325] {strides = array<i32>} : memref<64x64xf32, #tpu.memory_space<vmem>>, vector<1x16xf32>,
      %swap3A_327 = vector.shape_cast %swap3A_326 : vector<1x16xf32> to vector<16xf32>
      %swap3A_328 = vector.shape_cast %mul3A_323 : vector<16xf32> to vector<1x16xf32>
      tpu.vector_store %arg8[%swap3A_324, %swap3A_325], %swap3A_328 {strides = array<i32>} : memref<64x64xf32, #tpu.memory_space<vmem>>, vector<1x16xf32>,
      %get3A_329 = arith.index_cast %scan3A_294 : i32 to index
      %get3A_330 = arith.constant 48 : index
      %get3A_331 = tpu.vector_load %arg8[%get3A_329, %get3A_330] {strides = array<i32>} : memref<64x64xf32, #tpu.memory_space<vmem>>, vector<1x16xf32>,
      %get3A_332 = vector.shape_cast %get3A_331 : vector<1x16xf32> to vector<16xf32>
      %mul3A_333 = arith.constant 8.000000e+00 : f32
      %mul3A_334 = vector.broadcast %mul3A_333 : f32 to vector<16xf32>
      %mul3A_335 = arith.mulf %get3A_332, %mul3A_334 : vector<16xf32>
      %swap3A_336 = arith.index_cast %scan3A_294 : i32 to index
      %swap3A_337 = arith.constant 48 : index
      %swap3A_338 = tpu.vector_load %arg8[%swap3A_336, %swap3A_337] {strides = array<i32>} : memref<64x64xf32, #tpu.memory_space<vmem>>, vector<1x16xf32>,
      %swap3A_339 = vector.shape_cast %swap3A_338 : vector<1x16xf32> to vector<16xf32>
      %swap3A_340 = vector.shape_cast %mul3A_335 : vector<16xf32> to vector<1x16xf32>
      tpu.vector_store %arg8[%swap3A_336, %swap3A_337], %swap3A_340 {strides = array<i32>} : memref<64x64xf32, #tpu.memory_space<vmem>>, vector<1x16xf32>,
    }
    %scan3A_7 = arith.constant 64 : i32
    "tpu.region"() ({
      %run_scoped3A = tpu.sem_alloc : memref<!tpu.dma_semaphore, #tpu.memory_space<semaphore_mem>>
      %dma_start3A_294 = arith.constant 0 : i32
      %dma_start3A_295 = arith.constant 0 : i32
      %dma_start3A_296 = tpu.memref_slice %arg5[%arg0, %dma_start3A_294, %dma_start3A_295] : memref<2x1024x64xf32, #tpu.memory_space<hbm>> -> memref<1x1024x64xf32, #tpu.memory_space<hbm>>
      %dma_start3A_297 = tpu.memref_squeeze %dma_start3A_296 : memref<1x1024x64xf32, #tpu.memory_space<hbm>> -> memref<1024x64xf32, #tpu.memory_space<hbm>>
      %dma_start3A_298 = arith.constant 0 : i32
      %dma_start3A_299 = tpu.memref_slice %dma_start3A_297[%mul3A_2, %dma_start3A_298] : memref<1024x64xf32, #tpu.memory_space<hbm>> -> memref<64x64xf32, #tpu.memory_space<hbm>>
      %dma_start3A_300 = arith.constant 0 : i32
      %dma_start3A_301 = arith.constant 0 : i32
      %dma_start3A_302 = tpu.memref_slice %arg5[%arg0, %dma_start3A_300, %dma_start3A_301] : memref<2x1024x64xf32, #tpu.memory_space<hbm>> -> memref<1x1024x64xf32, #tpu.memory_space<hbm>>
      %dma_start3A_303 = tpu.memref_squeeze %dma_start3A_302 : memref<1x1024x64xf32, #tpu.memory_space<hbm>> -> memref<1024x64xf32, #tpu.memory_space<hbm>>
      %dma_start3A_304 = arith.constant 0 : i32
      %dma_start3A_305 = tpu.memref_slice %dma_start3A_303[%mul3A_2, %dma_start3A_304] : memref<1024x64xf32, #tpu.memory_space<hbm>> -> memref<64x64xf32, #tpu.memory_space<hbm>>
      tpu.enqueue_dma source(%arg8 : memref<64x64xf32, #tpu.memory_space<vmem>>) target(%dma_start3A_305 : memref<64x64xf32, #tpu.memory_space<hbm>>) target_semaphore(%run_scoped3A : memref<!tpu.dma_semaphore, #tpu.memory_space<semaphore_mem>>)
      %dma_wait3A_306 = arith.constant 0 : i32
      %dma_wait3A_307 = arith.constant 0 : i32
      %dma_wait3A_308 = tpu.memref_slice %arg5[%arg0, %dma_wait3A_306, %dma_wait3A_307] : memref<2x1024x64xf32, #tpu.memory_space<hbm>> -> memref<1x1024x64xf32, #tpu.memory_space<hbm>>
      %dma_wait3A_309 = tpu.memref_squeeze %dma_wait3A_308 : memref<1x1024x64xf32, #tpu.memory_space<hbm>> -> memref<1024x64xf32, #tpu.memory_space<hbm>>
      %dma_wait3A_310 = arith.constant 0 : i32
      %dma_wait3A_311 = tpu.memref_slice %dma_wait3A_309[%mul3A_2, %dma_wait3A_310] : memref<1024x64xf32, #tpu.memory_space<hbm>> -> memref<64x64xf32, #tpu.memory_space<hbm>>
      %dma_wait3A_312 = arith.constant 0 : i32
      %dma_wait3A_313 = arith.constant 0 : i32
      %dma_wait3A_314 = tpu.memref_slice %arg5[%arg0, %dma_wait3A_312, %dma_wait3A_313] : memref<2x1024x64xf32, #tpu.memory_space<hbm>> -> memref<1x1024x64xf32, #tpu.memory_space<hbm>>
      %dma_wait3A_315 = tpu.memref_squeeze %dma_wait3A_314 : memref<1x1024x64xf32, #tpu.memory_space<hbm>> -> memref<1024x64xf32, #tpu.memory_space<hbm>>
      %dma_wait3A_316 = arith.constant 0 : i32
      %dma_wait3A_317 = tpu.memref_slice %dma_wait3A_315[%mul3A_2, %dma_wait3A_316] : memref<1024x64xf32, #tpu.memory_space<hbm>> -> memref<64x64xf32, #tpu.memory_space<hbm>>
      tpu.wait_dma2 semaphore(%run_scoped3A : memref<!tpu.dma_semaphore, #tpu.memory_space<semaphore_mem>>) src(%arg8 : memref<64x64xf32, #tpu.memory_space<vmem>>) dst(%dma_wait3A_317 : memref<64x64xf32, #tpu.memory_space<hbm>>)
      tpu.yield
    }) : () -> ()
    %barrier3A = arith.constant 0 : index
    tpu.barrier barrier_id(%barrier3A)
    %mul3A_8 = arith.constant 25600 : i32
    %mul3A_9 = arith.muli %add3A, %mul3A_8 : i32
    "tpu.region"() ({
      %run_scoped3A = tpu.sem_alloc : memref<!tpu.dma_semaphore, #tpu.memory_space<semaphore_mem>>
      %dma_start3A_294 = tpu.memref_slice %arg2[%mul3A_9] : memref<819200xi32, #tpu.memory_space<hbm>> -> memref<25600xi32, #tpu.memory_space<hbm>>
      %dma_start3A_295 = tpu.memref_slice %arg2[%mul3A_9] : memref<819200xi32, #tpu.memory_space<hbm>> -> memref<25600xi32, #tpu.memory_space<hbm>>
      tpu.enqueue_dma source(%dma_start3A_295 : memref<25600xi32, #tpu.memory_space<hbm>>) target(%arg6 : memref<25600xi32, #tpu.memory_space<vmem>>) target_semaphore(%run_scoped3A : memref<!tpu.dma_semaphore, #tpu.memory_space<semaphore_mem>>)
      %dma_wait3A_296 = tpu.memref_slice %arg2[%mul3A_9] : memref<819200xi32, #tpu.memory_space<hbm>> -> memref<25600xi32, #tpu.memory_space<hbm>>
      %dma_wait3A_297 = tpu.memref_slice %arg2[%mul3A_9] : memref<819200xi32, #tpu.memory_space<hbm>> -> memref<25600xi32, #tpu.memory_space<hbm>>
      tpu.wait_dma2 semaphore(%run_scoped3A : memref<!tpu.dma_semaphore, #tpu.memory_space<semaphore_mem>>) src(%dma_wait3A_297 : memref<25600xi32, #tpu.memory_space<hbm>>) dst(%arg6 : memref<25600xi32, #tpu.memory_space<vmem>>)
      tpu.yield
    }) : () -> ()
    %dma_start3A = arith.constant 0 : i32
    %dma_start3A_10 = arith.constant 0 : i32
    %dma_start3A_11 = arith.constant 0 : i32
    %dma_start3A_12 = arith.constant 0 : i32
    %dma_start3A_13 = tpu.memref_slice %arg7[%dma_start3A, %dma_start3A_11, %dma_start3A_12] : memref<4x128x64xf32, #tpu.memory_space<vmem>> -> memref<1x128x64xf32, #tpu.memory_space<vmem>>
    %dma_start3A_14 = tpu.memref_squeeze %dma_start3A_13 : memref<1x128x64xf32, #tpu.memory_space<vmem>> -> memref<128x64xf32, #tpu.memory_space<vmem>>
    %dma_start3A_15 = arith.constant 0 : i32
    %dma_start3A_16 = tpu.memref_slice %arg6[%dma_start3A_15] : memref<25600xi32, #tpu.memory_space<vmem>> -> memref<128xi32, #tpu.memory_space<vmem>>
    %dma_start3A_17 = arith.constant 0 : i32
    %dma_start3A_18 = arith.constant 0 : i32
    %dma_start3A_19 = tpu.memref_slice %arg5[%arg0, %dma_start3A_17, %dma_start3A_18] : memref<2x1024x64xf32, #tpu.memory_space<hbm>> -> memref<1x1024x64xf32, #tpu.memory_space<hbm>>
    %dma_start3A_20 = tpu.memref_squeeze %dma_start3A_19 : memref<1x1024x64xf32, #tpu.memory_space<hbm>> -> memref<1024x64xf32, #tpu.memory_space<hbm>>
    %dma_start3A_21 = arith.constant 0 : i32
    %dma_start3A_22 = arith.constant 0 : i32
    %dma_start3A_23 = tpu.memref_slice %dma_start3A_20[%dma_start3A_21, %dma_start3A_22] : memref<1024x64xf32, #tpu.memory_space<hbm>> -> memref<1024x64xf32, #tpu.memory_space<hbm>>
    %dma_start3A_24 = tpu.memref_slice %arg9[%dma_start3A_10] : memref<4x!tpu.dma_semaphore, #tpu.memory_space<semaphore_mem>> -> memref<1x!tpu.dma_semaphore, #tpu.memory_space<semaphore_mem>>
    %dma_start3A_25 = tpu.memref_squeeze %dma_start3A_24 : memref<1x!tpu.dma_semaphore, #tpu.memory_space<semaphore_mem>> -> memref<!tpu.dma_semaphore, #tpu.memory_space<semaphore_mem>>
    tpu.enqueue_indirect_dma source(%dma_start3A_23 : memref<1024x64xf32, #tpu.memory_space<hbm>>) target(%dma_start3A_14 : memref<128x64xf32, #tpu.memory_space<vmem>>) offsets(%dma_start3A_16 : memref<128xi32, #tpu.memory_space<vmem>>) semaphore(%dma_start3A_25 : memref<!tpu.dma_semaphore, #tpu.memory_space<semaphore_mem>>)
    %dma_start3A_26 = arith.constant 1 : i32
    %dma_start3A_27 = arith.constant 1 : i32
    %dma_start3A_28 = arith.constant 0 : i32
    %dma_start3A_29 = arith.constant 0 : i32
    %dma_start3A_30 = tpu.memref_slice %arg7[%dma_start3A_26, %dma_start3A_28, %dma_start3A_29] : memref<4x128x64xf32, #tpu.memory_space<vmem>> -> memref<1x128x64xf32, #tpu.memory_space<vmem>>
    %dma_start3A_31 = tpu.memref_squeeze %dma_start3A_30 : memref<1x128x64xf32, #tpu.memory_space<vmem>> -> memref<128x64xf32, #tpu.memory_space<vmem>>
    %dma_start3A_32 = arith.constant 128 : i32
    %dma_start3A_33 = tpu.memref_slice %arg6[%dma_start3A_32] : memref<25600xi32, #tpu.memory_space<vmem>> -> memref<128xi32, #tpu.memory_space<vmem>>
    %dma_start3A_34 = arith.constant 0 : i32
    %dma_start3A_35 = arith.constant 0 : i32
    %dma_start3A_36 = tpu.memref_slice %arg5[%arg0, %dma_start3A_34, %dma_start3A_35] : memref<2x1024x64xf32, #tpu.memory_space<hbm>> -> memref<1x1024x64xf32, #tpu.memory_space<hbm>>
    %dma_start3A_37 = tpu.memref_squeeze %dma_start3A_36 : memref<1x1024x64xf32, #tpu.memory_space<hbm>> -> memref<1024x64xf32, #tpu.memory_space<hbm>>
    %dma_start3A_38 = arith.constant 0 : i32
    %dma_start3A_39 = arith.constant 0 : i32
    %dma_start3A_40 = tpu.memref_slice %dma_start3A_37[%dma_start3A_38, %dma_start3A_39] : memref<1024x64xf32, #tpu.memory_space<hbm>> -> memref<1024x64xf32, #tpu.memory_space<hbm>>
    %dma_start3A_41 = tpu.memref_slice %arg9[%dma_start3A_27] : memref<4x!tpu.dma_semaphore, #tpu.memory_space<semaphore_mem>> -> memref<1x!tpu.dma_semaphore, #tpu.memory_space<semaphore_mem>>
    %dma_start3A_42 = tpu.memref_squeeze %dma_start3A_41 : memref<1x!tpu.dma_semaphore, #tpu.memory_space<semaphore_mem>> -> memref<!tpu.dma_semaphore, #tpu.memory_space<semaphore_mem>>
    tpu.enqueue_indirect_dma source(%dma_start3A_40 : memref<1024x64xf32, #tpu.memory_space<hbm>>) target(%dma_start3A_31 : memref<128x64xf32, #tpu.memory_space<vmem>>) offsets(%dma_start3A_33 : memref<128xi32, #tpu.memory_space<vmem>>) semaphore(%dma_start3A_42 : memref<!tpu.dma_semaphore, #tpu.memory_space<semaphore_mem>>)
    %dma_start3A_43 = arith.constant 2 : i32
    %dma_start3A_44 = arith.constant 2 : i32
    %dma_start3A_45 = arith.constant 0 : i32
    %dma_start3A_46 = arith.constant 0 : i32
    %dma_start3A_47 = tpu.memref_slice %arg7[%dma_start3A_43, %dma_start3A_45, %dma_start3A_46] : memref<4x128x64xf32, #tpu.memory_space<vmem>> -> memref<1x128x64xf32, #tpu.memory_space<vmem>>
    %dma_start3A_48 = tpu.memref_squeeze %dma_start3A_47 : memref<1x128x64xf32, #tpu.memory_space<vmem>> -> memref<128x64xf32, #tpu.memory_space<vmem>>
    %dma_start3A_49 = arith.constant 256 : i32
    %dma_start3A_50 = tpu.memref_slice %arg6[%dma_start3A_49] : memref<25600xi32, #tpu.memory_space<vmem>> -> memref<128xi32, #tpu.memory_space<vmem>>
    %dma_start3A_51 = arith.constant 0 : i32
    %dma_start3A_52 = arith.constant 0 : i32
    %dma_start3A_53 = tpu.memref_slice %arg5[%arg0, %dma_start3A_51, %dma_start3A_52] : memref<2x1024x64xf32, #tpu.memory_space<hbm>> -> memref<1x1024x64xf32, #tpu.memory_space<hbm>>
    %dma_start3A_54 = tpu.memref_squeeze %dma_start3A_53 : memref<1x1024x64xf32, #tpu.memory_space<hbm>> -> memref<1024x64xf32, #tpu.memory_space<hbm>>
    %dma_start3A_55 = arith.constant 0 : i32
    %dma_start3A_56 = arith.constant 0 : i32
    %dma_start3A_57 = tpu.memref_slice %dma_start3A_54[%dma_start3A_55, %dma_start3A_56] : memref<1024x64xf32, #tpu.memory_space<hbm>> -> memref<1024x64xf32, #tpu.memory_space<hbm>>
    %dma_start3A_58 = tpu.memref_slice %arg9[%dma_start3A_44] : memref<4x!tpu.dma_semaphore, #tpu.memory_space<semaphore_mem>> -> memref<1x!tpu.dma_semaphore, #tpu.memory_space<semaphore_mem>>
    %dma_start3A_59 = tpu.memref_squeeze %dma_start3A_58 : memref<1x!tpu.dma_semaphore, #tpu.memory_space<semaphore_mem>> -> memref<!tpu.dma_semaphore, #tpu.memory_space<semaphore_mem>>
    tpu.enqueue_indirect_dma source(%dma_start3A_57 : memref<1024x64xf32, #tpu.memory_space<hbm>>) target(%dma_start3A_48 : memref<128x64xf32, #tpu.memory_space<vmem>>) offsets(%dma_start3A_50 : memref<128xi32, #tpu.memory_space<vmem>>) semaphore(%dma_start3A_59 : memref<!tpu.dma_semaphore, #tpu.memory_space<semaphore_mem>>)
    %dma_start3A_60 = arith.constant 3 : i32
    %dma_start3A_61 = arith.constant 3 : i32
    %dma_start3A_62 = arith.constant 0 : i32
    %dma_start3A_63 = arith.constant 0 : i32
    %dma_start3A_64 = tpu.memref_slice %arg7[%dma_start3A_60, %dma_start3A_62, %dma_start3A_63] : memref<4x128x64xf32, #tpu.memory_space<vmem>> -> memref<1x128x64xf32, #tpu.memory_space<vmem>>
    %dma_start3A_65 = tpu.memref_squeeze %dma_start3A_64 : memref<1x128x64xf32, #tpu.memory_space<vmem>> -> memref<128x64xf32, #tpu.memory_space<vmem>>
    %dma_start3A_66 = arith.constant 384 : i32
    %dma_start3A_67 = tpu.memref_slice %arg6[%dma_start3A_66] : memref<25600xi32, #tpu.memory_space<vmem>> -> memref<128xi32, #tpu.memory_space<vmem>>
    %dma_start3A_68 = arith.constant 0 : i32
    %dma_start3A_69 = arith.constant 0 : i32
    %dma_start3A_70 = tpu.memref_slice %arg5[%arg0, %dma_start3A_68, %dma_start3A_69] : memref<2x1024x64xf32, #tpu.memory_space<hbm>> -> memref<1x1024x64xf32, #tpu.memory_space<hbm>>
    %dma_start3A_71 = tpu.memref_squeeze %dma_start3A_70 : memref<1x1024x64xf32, #tpu.memory_space<hbm>> -> memref<1024x64xf32, #tpu.memory_space<hbm>>
    %dma_start3A_72 = arith.constant 0 : i32
    %dma_start3A_73 = arith.constant 0 : i32
    %dma_start3A_74 = tpu.memref_slice %dma_start3A_71[%dma_start3A_72, %dma_start3A_73] : memref<1024x64xf32, #tpu.memory_space<hbm>> -> memref<1024x64xf32, #tpu.memory_space<hbm>>
    %dma_start3A_75 = tpu.memref_slice %arg9[%dma_start3A_61] : memref<4x!tpu.dma_semaphore, #tpu.memory_space<semaphore_mem>> -> memref<1x!tpu.dma_semaphore, #tpu.memory_space<semaphore_mem>>
    %dma_start3A_76 = tpu.memref_squeeze %dma_start3A_75 : memref<1x!tpu.dma_semaphore, #tpu.memory_space<semaphore_mem>> -> memref<!tpu.dma_semaphore, #tpu.memory_space<semaphore_mem>>
    tpu.enqueue_indirect_dma source(%dma_start3A_74 : memref<1024x64xf32, #tpu.memory_space<hbm>>) target(%dma_start3A_65 : memref<128x64xf32, #tpu.memory_space<vmem>>) offsets(%dma_start3A_67 : memref<128xi32, #tpu.memory_space<vmem>>) semaphore(%dma_start3A_76 : memref<!tpu.dma_semaphore, #tpu.memory_space<semaphore_mem>>)
    %scan3A_77 = arith.constant 0 : i32
    %scan3A_78 = arith.constant 0 : i32
    %scan3A_79 = arith.constant 49 : i32
    %scan3A_80 = arith.addi %scan3A_78, %scan3A_79 : i32
    %scan3A_81 = arith.constant 1 : i32
    scf.for %scan3A_294 = %scan3A_78 to %scan3A_80 step %scan3A_81  : i32 {
      %mul3A_295 = arith.constant 4 : i32
      %mul3A_296 = arith.muli %scan3A_294, %mul3A_295 : i32
      %dma_wait3A_297 = arith.constant 0 : i32
      %dma_wait3A_298 = arith.constant 0 : i32
      %dma_wait3A_299 = arith.constant 0 : i32
      %dma_wait3A_300 = arith.constant 0 : i32
      %dma_wait3A_301 = tpu.memref_slice %arg7[%dma_wait3A_297, %dma_wait3A_299, %dma_wait3A_300] : memref<4x128x64xf32, #tpu.memory_space<vmem>> -> memref<1x128x64xf32, #tpu.memory_space<vmem>>
      %dma_wait3A_302 = tpu.memref_squeeze %dma_wait3A_301 : memref<1x128x64xf32, #tpu.memory_space<vmem>> -> memref<128x64xf32, #tpu.memory_space<vmem>>
      %dma_wait3A_303 = arith.constant 0 : i32
      %dma_wait3A_304 = tpu.memref_slice %arg6[%dma_wait3A_303] : memref<25600xi32, #tpu.memory_space<vmem>> -> memref<128xi32, #tpu.memory_space<vmem>>
      %dma_wait3A_305 = arith.constant 0 : i32
      %dma_wait3A_306 = arith.constant 0 : i32
      %dma_wait3A_307 = tpu.memref_slice %arg5[%arg0, %dma_wait3A_305, %dma_wait3A_306] : memref<2x1024x64xf32, #tpu.memory_space<hbm>> -> memref<1x1024x64xf32, #tpu.memory_space<hbm>>
      %dma_wait3A_308 = tpu.memref_squeeze %dma_wait3A_307 : memref<1x1024x64xf32, #tpu.memory_space<hbm>> -> memref<1024x64xf32, #tpu.memory_space<hbm>>
      %dma_wait3A_309 = arith.constant 0 : i32
      %dma_wait3A_310 = arith.constant 0 : i32
      %dma_wait3A_311 = tpu.memref_slice %dma_wait3A_308[%dma_wait3A_309, %dma_wait3A_310] : memref<1024x64xf32, #tpu.memory_space<hbm>> -> memref<1024x64xf32, #tpu.memory_space<hbm>>
      %dma_wait3A_312 = tpu.memref_slice %arg9[%dma_wait3A_298] : memref<4x!tpu.dma_semaphore, #tpu.memory_space<semaphore_mem>> -> memref<1x!tpu.dma_semaphore, #tpu.memory_space<semaphore_mem>>
      %dma_wait3A_313 = tpu.memref_squeeze %dma_wait3A_312 : memref<1x!tpu.dma_semaphore, #tpu.memory_space<semaphore_mem>> -> memref<!tpu.dma_semaphore, #tpu.memory_space<semaphore_mem>>
      tpu.wait_indirect_dma semaphore(%dma_wait3A_313 : memref<!tpu.dma_semaphore, #tpu.memory_space<semaphore_mem>>) src(%dma_wait3A_311 : memref<1024x64xf32, #tpu.memory_space<hbm>>) dst(%dma_wait3A_302 : memref<128x64xf32, #tpu.memory_space<vmem>>)
      %add3A_314 = arith.constant 0 : i32
      %add3A_315 = arith.addi %mul3A_296, %add3A_314 : i32
      %mul3A_316 = arith.constant 128 : i32
      %mul3A_317 = arith.muli %add3A_315, %mul3A_316 : i32
      %add3A_318 = arith.addi %mul3A_9, %mul3A_317 : i32
      %dma_start3A_319 = arith.constant 0 : i32
      %dma_start3A_320 = arith.constant 0 : i32
      %dma_start3A_321 = arith.constant 0 : i32
      %dma_start3A_322 = arith.constant 0 : i32
      %dma_start3A_323 = tpu.memref_slice %arg7[%dma_start3A_319, %dma_start3A_321, %dma_start3A_322] : memref<4x128x64xf32, #tpu.memory_space<vmem>> -> memref<1x128x64xf32, #tpu.memory_space<vmem>>
      %dma_start3A_324 = tpu.memref_squeeze %dma_start3A_323 : memref<1x128x64xf32, #tpu.memory_space<vmem>> -> memref<128x64xf32, #tpu.memory_space<vmem>>
      %dma_start3A_325 = arith.constant 0 : i32
      %dma_start3A_326 = tpu.memref_slice %arg4[%add3A_318, %dma_start3A_325] : memref<819200x64xf32, #tpu.memory_space<hbm>> -> memref<128x64xf32, #tpu.memory_space<hbm>>
      %dma_start3A_327 = tpu.memref_slice %arg10[%dma_start3A_320] : memref<4x!tpu.dma_semaphore, #tpu.memory_space<semaphore_mem>> -> memref<1x!tpu.dma_semaphore, #tpu.memory_space<semaphore_mem>>
      %dma_start3A_328 = tpu.memref_squeeze %dma_start3A_327 : memref<1x!tpu.dma_semaphore, #tpu.memory_space<semaphore_mem>> -> memref<!tpu.dma_semaphore, #tpu.memory_space<semaphore_mem>>
      %dma_start3A_329 = arith.constant 0 : i32
      %dma_start3A_330 = tpu.memref_slice %arg4[%add3A_318, %dma_start3A_329] : memref<819200x64xf32, #tpu.memory_space<hbm>> -> memref<128x64xf32, #tpu.memory_space<hbm>>
      %dma_start3A_331 = arith.constant 0 : i32
      %dma_start3A_332 = arith.constant 0 : i32
      %dma_start3A_333 = tpu.memref_slice %arg7[%dma_start3A_319, %dma_start3A_331, %dma_start3A_332] : memref<4x128x64xf32, #tpu.memory_space<vmem>> -> memref<1x128x64xf32, #tpu.memory_space<vmem>>
      %dma_start3A_334 = tpu.memref_squeeze %dma_start3A_333 : memref<1x128x64xf32, #tpu.memory_space<vmem>> -> memref<128x64xf32, #tpu.memory_space<vmem>>
      tpu.enqueue_dma source(%dma_start3A_334 : memref<128x64xf32, #tpu.memory_space<vmem>>) target(%dma_start3A_330 : memref<128x64xf32, #tpu.memory_space<hbm>>) target_semaphore(%dma_start3A_328 : memref<!tpu.dma_semaphore, #tpu.memory_space<semaphore_mem>>)
      %dma_wait3A_335 = arith.constant 1 : i32
      %dma_wait3A_336 = arith.constant 1 : i32
      %dma_wait3A_337 = arith.constant 0 : i32
      %dma_wait3A_338 = arith.constant 0 : i32
      %dma_wait3A_339 = tpu.memref_slice %arg7[%dma_wait3A_335, %dma_wait3A_337, %dma_wait3A_338] : memref<4x128x64xf32, #tpu.memory_space<vmem>> -> memref<1x128x64xf32, #tpu.memory_space<vmem>>
      %dma_wait3A_340 = tpu.memref_squeeze %dma_wait3A_339 : memref<1x128x64xf32, #tpu.memory_space<vmem>> -> memref<128x64xf32, #tpu.memory_space<vmem>>
      %dma_wait3A_341 = arith.constant 0 : i32
      %dma_wait3A_342 = tpu.memref_slice %arg6[%dma_wait3A_341] : memref<25600xi32, #tpu.memory_space<vmem>> -> memref<128xi32, #tpu.memory_space<vmem>>
      %dma_wait3A_343 = arith.constant 0 : i32
      %dma_wait3A_344 = arith.constant 0 : i32
      %dma_wait3A_345 = tpu.memref_slice %arg5[%arg0, %dma_wait3A_343, %dma_wait3A_344] : memref<2x1024x64xf32, #tpu.memory_space<hbm>> -> memref<1x1024x64xf32, #tpu.memory_space<hbm>>
      %dma_wait3A_346 = tpu.memref_squeeze %dma_wait3A_345 : memref<1x1024x64xf32, #tpu.memory_space<hbm>> -> memref<1024x64xf32, #tpu.memory_space<hbm>>
      %dma_wait3A_347 = arith.constant 0 : i32
      %dma_wait3A_348 = arith.constant 0 : i32
      %dma_wait3A_349 = tpu.memref_slice %dma_wait3A_346[%dma_wait3A_347, %dma_wait3A_348] : memref<1024x64xf32, #tpu.memory_space<hbm>> -> memref<1024x64xf32, #tpu.memory_space<hbm>>
      %dma_wait3A_350 = tpu.memref_slice %arg9[%dma_wait3A_336] : memref<4x!tpu.dma_semaphore, #tpu.memory_space<semaphore_mem>> -> memref<1x!tpu.dma_semaphore, #tpu.memory_space<semaphore_mem>>
      %dma_wait3A_351 = tpu.memref_squeeze %dma_wait3A_350 : memref<1x!tpu.dma_semaphore, #tpu.memory_space<semaphore_mem>> -> memref<!tpu.dma_semaphore, #tpu.memory_space<semaphore_mem>>
      tpu.wait_indirect_dma semaphore(%dma_wait3A_351 : memref<!tpu.dma_semaphore, #tpu.memory_space<semaphore_mem>>) src(%dma_wait3A_349 : memref<1024x64xf32, #tpu.memory_space<hbm>>) dst(%dma_wait3A_340 : memref<128x64xf32, #tpu.memory_space<vmem>>)
      %add3A_352 = arith.constant 1 : i32
      %add3A_353 = arith.addi %mul3A_296, %add3A_352 : i32
      %mul3A_354 = arith.constant 128 : i32
      %mul3A_355 = arith.muli %add3A_353, %mul3A_354 : i32
      %add3A_356 = arith.addi %mul3A_9, %mul3A_355 : i32
      %dma_start3A_357 = arith.constant 1 : i32
      %dma_start3A_358 = arith.constant 1 : i32
      %dma_start3A_359 = arith.constant 0 : i32
      %dma_start3A_360 = arith.constant 0 : i32
      %dma_start3A_361 = tpu.memref_slice %arg7[%dma_start3A_357, %dma_start3A_359, %dma_start3A_360] : memref<4x128x64xf32, #tpu.memory_space<vmem>> -> memref<1x128x64xf32, #tpu.memory_space<vmem>>
      %dma_start3A_362 = tpu.memref_squeeze %dma_start3A_361 : memref<1x128x64xf32, #tpu.memory_space<vmem>> -> memref<128x64xf32, #tpu.memory_space<vmem>>
      %dma_start3A_363 = arith.constant 0 : i32
      %dma_start3A_364 = tpu.memref_slice %arg4[%add3A_356, %dma_start3A_363] : memref<819200x64xf32, #tpu.memory_space<hbm>> -> memref<128x64xf32, #tpu.memory_space<hbm>>
      %dma_start3A_365 = tpu.memref_slice %arg10[%dma_start3A_358] : memref<4x!tpu.dma_semaphore, #tpu.memory_space<semaphore_mem>> -> memref<1x!tpu.dma_semaphore, #tpu.memory_space<semaphore_mem>>
      %dma_start3A_366 = tpu.memref_squeeze %dma_start3A_365 : memref<1x!tpu.dma_semaphore, #tpu.memory_space<semaphore_mem>> -> memref<!tpu.dma_semaphore, #tpu.memory_space<semaphore_mem>>
      %dma_start3A_367 = arith.constant 0 : i32
      %dma_start3A_368 = tpu.memref_slice %arg4[%add3A_356, %dma_start3A_367] : memref<819200x64xf32, #tpu.memory_space<hbm>> -> memref<128x64xf32, #tpu.memory_space<hbm>>
      %dma_start3A_369 = arith.constant 0 : i32
      %dma_start3A_370 = arith.constant 0 : i32
      %dma_start3A_371 = tpu.memref_slice %arg7[%dma_start3A_357, %dma_start3A_369, %dma_start3A_370] : memref<4x128x64xf32, #tpu.memory_space<vmem>> -> memref<1x128x64xf32, #tpu.memory_space<vmem>>
      %dma_start3A_372 = tpu.memref_squeeze %dma_start3A_371 : memref<1x128x64xf32, #tpu.memory_space<vmem>> -> memref<128x64xf32, #tpu.memory_space<vmem>>
      tpu.enqueue_dma source(%dma_start3A_372 : memref<128x64xf32, #tpu.memory_space<vmem>>) target(%dma_start3A_368 : memref<128x64xf32, #tpu.memory_space<hbm>>) target_semaphore(%dma_start3A_366 : memref<!tpu.dma_semaphore, #tpu.memory_space<semaphore_mem>>)
      %dma_wait3A_373 = arith.constant 2 : i32
      %dma_wait3A_374 = arith.constant 2 : i32
      %dma_wait3A_375 = arith.constant 0 : i32
      %dma_wait3A_376 = arith.constant 0 : i32
      %dma_wait3A_377 = tpu.memref_slice %arg7[%dma_wait3A_373, %dma_wait3A_375, %dma_wait3A_376] : memref<4x128x64xf32, #tpu.memory_space<vmem>> -> memref<1x128x64xf32, #tpu.memory_space<vmem>>
      %dma_wait3A_378 = tpu.memref_squeeze %dma_wait3A_377 : memref<1x128x64xf32, #tpu.memory_space<vmem>> -> memref<128x64xf32, #tpu.memory_space<vmem>>
      %dma_wait3A_379 = arith.constant 0 : i32
      %dma_wait3A_380 = tpu.memref_slice %arg6[%dma_wait3A_379] : memref<25600xi32, #tpu.memory_space<vmem>> -> memref<128xi32, #tpu.memory_space<vmem>>
      %dma_wait3A_381 = arith.constant 0 : i32
      %dma_wait3A_382 = arith.constant 0 : i32
      %dma_wait3A_383 = tpu.memref_slice %arg5[%arg0, %dma_wait3A_381, %dma_wait3A_382] : memref<2x1024x64xf32, #tpu.memory_space<hbm>> -> memref<1x1024x64xf32, #tpu.memory_space<hbm>>
      %dma_wait3A_384 = tpu.memref_squeeze %dma_wait3A_383 : memref<1x1024x64xf32, #tpu.memory_space<hbm>> -> memref<1024x64xf32, #tpu.memory_space<hbm>>
      %dma_wait3A_385 = arith.constant 0 : i32
      %dma_wait3A_386 = arith.constant 0 : i32
      %dma_wait3A_387 = tpu.memref_slice %dma_wait3A_384[%dma_wait3A_385, %dma_wait3A_386] : memref<1024x64xf32, #tpu.memory_space<hbm>> -> memref<1024x64xf32, #tpu.memory_space<hbm>>
      %dma_wait3A_388 = tpu.memref_slice %arg9[%dma_wait3A_374] : memref<4x!tpu.dma_semaphore, #tpu.memory_space<semaphore_mem>> -> memref<1x!tpu.dma_semaphore, #tpu.memory_space<semaphore_mem>>
      %dma_wait3A_389 = tpu.memref_squeeze %dma_wait3A_388 : memref<1x!tpu.dma_semaphore, #tpu.memory_space<semaphore_mem>> -> memref<!tpu.dma_semaphore, #tpu.memory_space<semaphore_mem>>
      tpu.wait_indirect_dma semaphore(%dma_wait3A_389 : memref<!tpu.dma_semaphore, #tpu.memory_space<semaphore_mem>>) src(%dma_wait3A_387 : memref<1024x64xf32, #tpu.memory_space<hbm>>) dst(%dma_wait3A_378 : memref<128x64xf32, #tpu.memory_space<vmem>>)
      %add3A_390 = arith.constant 2 : i32
      %add3A_391 = arith.addi %mul3A_296, %add3A_390 : i32
      %mul3A_392 = arith.constant 128 : i32
      %mul3A_393 = arith.muli %add3A_391, %mul3A_392 : i32
      %add3A_394 = arith.addi %mul3A_9, %mul3A_393 : i32
      %dma_start3A_395 = arith.constant 2 : i32
      %dma_start3A_396 = arith.constant 2 : i32
      %dma_start3A_397 = arith.constant 0 : i32
      %dma_start3A_398 = arith.constant 0 : i32
      %dma_start3A_399 = tpu.memref_slice %arg7[%dma_start3A_395, %dma_start3A_397, %dma_start3A_398] : memref<4x128x64xf32, #tpu.memory_space<vmem>> -> memref<1x128x64xf32, #tpu.memory_space<vmem>>
      %dma_start3A_400 = tpu.memref_squeeze %dma_start3A_399 : memref<1x128x64xf32, #tpu.memory_space<vmem>> -> memref<128x64xf32, #tpu.memory_space<vmem>>
      %dma_start3A_401 = arith.constant 0 : i32
      %dma_start3A_402 = tpu.memref_slice %arg4[%add3A_394, %dma_start3A_401] : memref<819200x64xf32, #tpu.memory_space<hbm>> -> memref<128x64xf32, #tpu.memory_space<hbm>>
      %dma_start3A_403 = tpu.memref_slice %arg10[%dma_start3A_396] : memref<4x!tpu.dma_semaphore, #tpu.memory_space<semaphore_mem>> -> memref<1x!tpu.dma_semaphore, #tpu.memory_space<semaphore_mem>>
      %dma_start3A_404 = tpu.memref_squeeze %dma_start3A_403 : memref<1x!tpu.dma_semaphore, #tpu.memory_space<semaphore_mem>> -> memref<!tpu.dma_semaphore, #tpu.memory_space<semaphore_mem>>
      %dma_start3A_405 = arith.constant 0 : i32
      %dma_start3A_406 = tpu.memref_slice %arg4[%add3A_394, %dma_start3A_405] : memref<819200x64xf32, #tpu.memory_space<hbm>> -> memref<128x64xf32, #tpu.memory_space<hbm>>
      %dma_start3A_407 = arith.constant 0 : i32
      %dma_start3A_408 = arith.constant 0 : i32
      %dma_start3A_409 = tpu.memref_slice %arg7[%dma_start3A_395, %dma_start3A_407, %dma_start3A_408] : memref<4x128x64xf32, #tpu.memory_space<vmem>> -> memref<1x128x64xf32, #tpu.memory_space<vmem>>
      %dma_start3A_410 = tpu.memref_squeeze %dma_start3A_409 : memref<1x128x64xf32, #tpu.memory_space<vmem>> -> memref<128x64xf32, #tpu.memory_space<vmem>>
      tpu.enqueue_dma source(%dma_start3A_410 : memref<128x64xf32, #tpu.memory_space<vmem>>) target(%dma_start3A_406 : memref<128x64xf32, #tpu.memory_space<hbm>>) target_semaphore(%dma_start3A_404 : memref<!tpu.dma_semaphore, #tpu.memory_space<semaphore_mem>>)
      %dma_wait3A_411 = arith.constant 3 : i32
      %dma_wait3A_412 = arith.constant 3 : i32
      %dma_wait3A_413 = arith.constant 0 : i32
      %dma_wait3A_414 = arith.constant 0 : i32
      %dma_wait3A_415 = tpu.memref_slice %arg7[%dma_wait3A_411, %dma_wait3A_413, %dma_wait3A_414] : memref<4x128x64xf32, #tpu.memory_space<vmem>> -> memref<1x128x64xf32, #tpu.memory_space<vmem>>
      %dma_wait3A_416 = tpu.memref_squeeze %dma_wait3A_415 : memref<1x128x64xf32, #tpu.memory_space<vmem>> -> memref<128x64xf32, #tpu.memory_space<vmem>>
      %dma_wait3A_417 = arith.constant 0 : i32
      %dma_wait3A_418 = tpu.memref_slice %arg6[%dma_wait3A_417] : memref<25600xi32, #tpu.memory_space<vmem>> -> memref<128xi32, #tpu.memory_space<vmem>>
      %dma_wait3A_419 = arith.constant 0 : i32
      %dma_wait3A_420 = arith.constant 0 : i32
      %dma_wait3A_421 = tpu.memref_slice %arg5[%arg0, %dma_wait3A_419, %dma_wait3A_420] : memref<2x1024x64xf32, #tpu.memory_space<hbm>> -> memref<1x1024x64xf32, #tpu.memory_space<hbm>>
      %dma_wait3A_422 = tpu.memref_squeeze %dma_wait3A_421 : memref<1x1024x64xf32, #tpu.memory_space<hbm>> -> memref<1024x64xf32, #tpu.memory_space<hbm>>
      %dma_wait3A_423 = arith.constant 0 : i32
      %dma_wait3A_424 = arith.constant 0 : i32
      %dma_wait3A_425 = tpu.memref_slice %dma_wait3A_422[%dma_wait3A_423, %dma_wait3A_424] : memref<1024x64xf32, #tpu.memory_space<hbm>> -> memref<1024x64xf32, #tpu.memory_space<hbm>>
      %dma_wait3A_426 = tpu.memref_slice %arg9[%dma_wait3A_412] : memref<4x!tpu.dma_semaphore, #tpu.memory_space<semaphore_mem>> -> memref<1x!tpu.dma_semaphore, #tpu.memory_space<semaphore_mem>>
      %dma_wait3A_427 = tpu.memref_squeeze %dma_wait3A_426 : memref<1x!tpu.dma_semaphore, #tpu.memory_space<semaphore_mem>> -> memref<!tpu.dma_semaphore, #tpu.memory_space<semaphore_mem>>
      tpu.wait_indirect_dma semaphore(%dma_wait3A_427 : memref<!tpu.dma_semaphore, #tpu.memory_space<semaphore_mem>>) src(%dma_wait3A_425 : memref<1024x64xf32, #tpu.memory_space<hbm>>) dst(%dma_wait3A_416 : memref<128x64xf32, #tpu.memory_space<vmem>>)
      %add3A_428 = arith.constant 3 : i32
      %add3A_429 = arith.addi %mul3A_296, %add3A_428 : i32
      %mul3A_430 = arith.constant 128 : i32
      %mul3A_431 = arith.muli %add3A_429, %mul3A_430 : i32
      %add3A_432 = arith.addi %mul3A_9, %mul3A_431 : i32
      %dma_start3A_433 = arith.constant 3 : i32
      %dma_start3A_434 = arith.constant 3 : i32
      %dma_start3A_435 = arith.constant 0 : i32
      %dma_start3A_436 = arith.constant 0 : i32
      %dma_start3A_437 = tpu.memref_slice %arg7[%dma_start3A_433, %dma_start3A_435, %dma_start3A_436] : memref<4x128x64xf32, #tpu.memory_space<vmem>> -> memref<1x128x64xf32, #tpu.memory_space<vmem>>
      %dma_start3A_438 = tpu.memref_squeeze %dma_start3A_437 : memref<1x128x64xf32, #tpu.memory_space<vmem>> -> memref<128x64xf32, #tpu.memory_space<vmem>>
      %dma_start3A_439 = arith.constant 0 : i32
      %dma_start3A_440 = tpu.memref_slice %arg4[%add3A_432, %dma_start3A_439] : memref<819200x64xf32, #tpu.memory_space<hbm>> -> memref<128x64xf32, #tpu.memory_space<hbm>>
      %dma_start3A_441 = tpu.memref_slice %arg10[%dma_start3A_434] : memref<4x!tpu.dma_semaphore, #tpu.memory_space<semaphore_mem>> -> memref<1x!tpu.dma_semaphore, #tpu.memory_space<semaphore_mem>>
      %dma_start3A_442 = tpu.memref_squeeze %dma_start3A_441 : memref<1x!tpu.dma_semaphore, #tpu.memory_space<semaphore_mem>> -> memref<!tpu.dma_semaphore, #tpu.memory_space<semaphore_mem>>
      %dma_start3A_443 = arith.constant 0 : i32
      %dma_start3A_444 = tpu.memref_slice %arg4[%add3A_432, %dma_start3A_443] : memref<819200x64xf32, #tpu.memory_space<hbm>> -> memref<128x64xf32, #tpu.memory_space<hbm>>
      %dma_start3A_445 = arith.constant 0 : i32
      %dma_start3A_446 = arith.constant 0 : i32
      %dma_start3A_447 = tpu.memref_slice %arg7[%dma_start3A_433, %dma_start3A_445, %dma_start3A_446] : memref<4x128x64xf32, #tpu.memory_space<vmem>> -> memref<1x128x64xf32, #tpu.memory_space<vmem>>
      %dma_start3A_448 = tpu.memref_squeeze %dma_start3A_447 : memref<1x128x64xf32, #tpu.memory_space<vmem>> -> memref<128x64xf32, #tpu.memory_space<vmem>>
      tpu.enqueue_dma source(%dma_start3A_448 : memref<128x64xf32, #tpu.memory_space<vmem>>) target(%dma_start3A_444 : memref<128x64xf32, #tpu.memory_space<hbm>>) target_semaphore(%dma_start3A_442 : memref<!tpu.dma_semaphore, #tpu.memory_space<semaphore_mem>>)
      %add3A_449 = arith.constant 0 : i32
      %add3A_450 = arith.addi %mul3A_296, %add3A_449 : i32
      %mul3A_451 = arith.constant 128 : i32
      %mul3A_452 = arith.muli %add3A_450, %mul3A_451 : i32
      %add3A_453 = arith.addi %mul3A_9, %mul3A_452 : i32
      %dma_wait3A_454 = arith.constant 0 : i32
      %dma_wait3A_455 = arith.constant 0 : i32
      %dma_wait3A_456 = arith.constant 0 : i32
      %dma_wait3A_457 = arith.constant 0 : i32
      %dma_wait3A_458 = tpu.memref_slice %arg7[%dma_wait3A_454, %dma_wait3A_456, %dma_wait3A_457] : memref<4x128x64xf32, #tpu.memory_space<vmem>> -> memref<1x128x64xf32, #tpu.memory_space<vmem>>
      %dma_wait3A_459 = tpu.memref_squeeze %dma_wait3A_458 : memref<1x128x64xf32, #tpu.memory_space<vmem>> -> memref<128x64xf32, #tpu.memory_space<vmem>>
      %dma_wait3A_460 = arith.constant 0 : i32
      %dma_wait3A_461 = tpu.memref_slice %arg4[%add3A_453, %dma_wait3A_460] : memref<819200x64xf32, #tpu.memory_space<hbm>> -> memref<128x64xf32, #tpu.memory_space<hbm>>
      %dma_wait3A_462 = tpu.memref_slice %arg10[%dma_wait3A_455] : memref<4x!tpu.dma_semaphore, #tpu.memory_space<semaphore_mem>> -> memref<1x!tpu.dma_semaphore, #tpu.memory_space<semaphore_mem>>
      %dma_wait3A_463 = tpu.memref_squeeze %dma_wait3A_462 : memref<1x!tpu.dma_semaphore, #tpu.memory_space<semaphore_mem>> -> memref<!tpu.dma_semaphore, #tpu.memory_space<semaphore_mem>>
      %dma_wait3A_464 = arith.constant 0 : i32
      %dma_wait3A_465 = tpu.memref_slice %arg4[%add3A_453, %dma_wait3A_464] : memref<819200x64xf32, #tpu.memory_space<hbm>> -> memref<128x64xf32, #tpu.memory_space<hbm>>
      %dma_wait3A_466 = arith.constant 0 : i32
      %dma_wait3A_467 = arith.constant 0 : i32
      %dma_wait3A_468 = tpu.memref_slice %arg7[%dma_wait3A_454, %dma_wait3A_466, %dma_wait3A_467] : memref<4x128x64xf32, #tpu.memory_space<vmem>> -> memref<1x128x64xf32, #tpu.memory_space<vmem>>
      %dma_wait3A_469 = tpu.memref_squeeze %dma_wait3A_468 : memref<1x128x64xf32, #tpu.memory_space<vmem>> -> memref<128x64xf32, #tpu.memory_space<vmem>>
      tpu.wait_dma2 semaphore(%dma_wait3A_463 : memref<!tpu.dma_semaphore, #tpu.memory_space<semaphore_mem>>) src(%dma_wait3A_469 : memref<128x64xf32, #tpu.memory_space<vmem>>) dst(%dma_wait3A_465 : memref<128x64xf32, #tpu.memory_space<hbm>>)
      %add3A_470 = arith.constant 4 : i32
      %add3A_471 = arith.addi %mul3A_296, %add3A_470 : i32
      %add3A_472 = arith.constant 0 : i32
      %add3A_473 = arith.addi %add3A_471, %add3A_472 : i32
      %mul3A_474 = arith.constant 128 : i32
      %mul3A_475 = arith.muli %add3A_473, %mul3A_474 : i32
      %dma_start3A_476 = arith.constant 0 : i32
      %dma_start3A_477 = arith.constant 0 : i32
      %dma_start3A_478 = arith.constant 0 : i32
      %dma_start3A_479 = arith.constant 0 : i32
      %dma_start3A_480 = tpu.memref_slice %arg7[%dma_start3A_476, %dma_start3A_478, %dma_start3A_479] : memref<4x128x64xf32, #tpu.memory_space<vmem>> -> memref<1x128x64xf32, #tpu.memory_space<vmem>>
      %dma_start3A_481 = tpu.memref_squeeze %dma_start3A_480 : memref<1x128x64xf32, #tpu.memory_space<vmem>> -> memref<128x64xf32, #tpu.memory_space<vmem>>
      %dma_start3A_482 = tpu.memref_slice %arg6[%mul3A_475] : memref<25600xi32, #tpu.memory_space<vmem>> -> memref<128xi32, #tpu.memory_space<vmem>>
      %dma_start3A_483 = arith.constant 0 : i32
      %dma_start3A_484 = arith.constant 0 : i32
      %dma_start3A_485 = tpu.memref_slice %arg5[%arg0, %dma_start3A_483, %dma_start3A_484] : memref<2x1024x64xf32, #tpu.memory_space<hbm>> -> memref<1x1024x64xf32, #tpu.memory_space<hbm>>
      %dma_start3A_486 = tpu.memref_squeeze %dma_start3A_485 : memref<1x1024x64xf32, #tpu.memory_space<hbm>> -> memref<1024x64xf32, #tpu.memory_space<hbm>>
      %dma_start3A_487 = arith.constant 0 : i32
      %dma_start3A_488 = arith.constant 0 : i32
      %dma_start3A_489 = tpu.memref_slice %dma_start3A_486[%dma_start3A_487, %dma_start3A_488] : memref<1024x64xf32, #tpu.memory_space<hbm>> -> memref<1024x64xf32, #tpu.memory_space<hbm>>
      %dma_start3A_490 = tpu.memref_slice %arg9[%dma_start3A_477] : memref<4x!tpu.dma_semaphore, #tpu.memory_space<semaphore_mem>> -> memref<1x!tpu.dma_semaphore, #tpu.memory_space<semaphore_mem>>
      %dma_start3A_491 = tpu.memref_squeeze %dma_start3A_490 : memref<1x!tpu.dma_semaphore, #tpu.memory_space<semaphore_mem>> -> memref<!tpu.dma_semaphore, #tpu.memory_space<semaphore_mem>>
      tpu.enqueue_indirect_dma source(%dma_start3A_489 : memref<1024x64xf32, #tpu.memory_space<hbm>>) target(%dma_start3A_481 : memref<128x64xf32, #tpu.memory_space<vmem>>) offsets(%dma_start3A_482 : memref<128xi32, #tpu.memory_space<vmem>>) semaphore(%dma_start3A_491 : memref<!tpu.dma_semaphore, #tpu.memory_space<semaphore_mem>>)
      %add3A_492 = arith.constant 1 : i32
      %add3A_493 = arith.addi %mul3A_296, %add3A_492 : i32
      %mul3A_494 = arith.constant 128 : i32
      %mul3A_495 = arith.muli %add3A_493, %mul3A_494 : i32
      %add3A_496 = arith.addi %mul3A_9, %mul3A_495 : i32
      %dma_wait3A_497 = arith.constant 1 : i32
      %dma_wait3A_498 = arith.constant 1 : i32
      %dma_wait3A_499 = arith.constant 0 : i32
      %dma_wait3A_500 = arith.constant 0 : i32
      %dma_wait3A_501 = tpu.memref_slice %arg7[%dma_wait3A_497, %dma_wait3A_499, %dma_wait3A_500] : memref<4x128x64xf32, #tpu.memory_space<vmem>> -> memref<1x128x64xf32, #tpu.memory_space<vmem>>
      %dma_wait3A_502 = tpu.memref_squeeze %dma_wait3A_501 : memref<1x128x64xf32, #tpu.memory_space<vmem>> -> memref<128x64xf32, #tpu.memory_space<vmem>>
      %dma_wait3A_503 = arith.constant 0 : i32
      %dma_wait3A_504 = tpu.memref_slice %arg4[%add3A_496, %dma_wait3A_503] : memref<819200x64xf32, #tpu.memory_space<hbm>> -> memref<128x64xf32, #tpu.memory_space<hbm>>
      %dma_wait3A_505 = tpu.memref_slice %arg10[%dma_wait3A_498] : memref<4x!tpu.dma_semaphore, #tpu.memory_space<semaphore_mem>> -> memref<1x!tpu.dma_semaphore, #tpu.memory_space<semaphore_mem>>
      %dma_wait3A_506 = tpu.memref_squeeze %dma_wait3A_505 : memref<1x!tpu.dma_semaphore, #tpu.memory_space<semaphore_mem>> -> memref<!tpu.dma_semaphore, #tpu.memory_space<semaphore_mem>>
      %dma_wait3A_507 = arith.constant 0 : i32
      %dma_wait3A_508 = tpu.memref_slice %arg4[%add3A_496, %dma_wait3A_507] : memref<819200x64xf32, #tpu.memory_space<hbm>> -> memref<128x64xf32, #tpu.memory_space<hbm>>
      %dma_wait3A_509 = arith.constant 0 : i32
      %dma_wait3A_510 = arith.constant 0 : i32
      %dma_wait3A_511 = tpu.memref_slice %arg7[%dma_wait3A_497, %dma_wait3A_509, %dma_wait3A_510] : memref<4x128x64xf32, #tpu.memory_space<vmem>> -> memref<1x128x64xf32, #tpu.memory_space<vmem>>
      %dma_wait3A_512 = tpu.memref_squeeze %dma_wait3A_511 : memref<1x128x64xf32, #tpu.memory_space<vmem>> -> memref<128x64xf32, #tpu.memory_space<vmem>>
      tpu.wait_dma2 semaphore(%dma_wait3A_506 : memref<!tpu.dma_semaphore, #tpu.memory_space<semaphore_mem>>) src(%dma_wait3A_512 : memref<128x64xf32, #tpu.memory_space<vmem>>) dst(%dma_wait3A_508 : memref<128x64xf32, #tpu.memory_space<hbm>>)
      %add3A_513 = arith.constant 4 : i32
      %add3A_514 = arith.addi %mul3A_296, %add3A_513 : i32
      %add3A_515 = arith.constant 1 : i32
      %add3A_516 = arith.addi %add3A_514, %add3A_515 : i32
      %mul3A_517 = arith.constant 128 : i32
      %mul3A_518 = arith.muli %add3A_516, %mul3A_517 : i32
      %dma_start3A_519 = arith.constant 1 : i32
      %dma_start3A_520 = arith.constant 1 : i32
      %dma_start3A_521 = arith.constant 0 : i32
      %dma_start3A_522 = arith.constant 0 : i32
      %dma_start3A_523 = tpu.memref_slice %arg7[%dma_start3A_519, %dma_start3A_521, %dma_start3A_522] : memref<4x128x64xf32, #tpu.memory_space<vmem>> -> memref<1x128x64xf32, #tpu.memory_space<vmem>>
      %dma_start3A_524 = tpu.memref_squeeze %dma_start3A_523 : memref<1x128x64xf32, #tpu.memory_space<vmem>> -> memref<128x64xf32, #tpu.memory_space<vmem>>
      %dma_start3A_525 = tpu.memref_slice %arg6[%mul3A_518] : memref<25600xi32, #tpu.memory_space<vmem>> -> memref<128xi32, #tpu.memory_space<vmem>>
      %dma_start3A_526 = arith.constant 0 : i32
      %dma_start3A_527 = arith.constant 0 : i32
      %dma_start3A_528 = tpu.memref_slice %arg5[%arg0, %dma_start3A_526, %dma_start3A_527] : memref<2x1024x64xf32, #tpu.memory_space<hbm>> -> memref<1x1024x64xf32, #tpu.memory_space<hbm>>
      %dma_start3A_529 = tpu.memref_squeeze %dma_start3A_528 : memref<1x1024x64xf32, #tpu.memory_space<hbm>> -> memref<1024x64xf32, #tpu.memory_space<hbm>>
      %dma_start3A_530 = arith.constant 0 : i32
      %dma_start3A_531 = arith.constant 0 : i32
      %dma_start3A_532 = tpu.memref_slice %dma_start3A_529[%dma_start3A_530, %dma_start3A_531] : memref<1024x64xf32, #tpu.memory_space<hbm>> -> memref<1024x64xf32, #tpu.memory_space<hbm>>
      %dma_start3A_533 = tpu.memref_slice %arg9[%dma_start3A_520] : memref<4x!tpu.dma_semaphore, #tpu.memory_space<semaphore_mem>> -> memref<1x!tpu.dma_semaphore, #tpu.memory_space<semaphore_mem>>
      %dma_start3A_534 = tpu.memref_squeeze %dma_start3A_533 : memref<1x!tpu.dma_semaphore, #tpu.memory_space<semaphore_mem>> -> memref<!tpu.dma_semaphore, #tpu.memory_space<semaphore_mem>>
      tpu.enqueue_indirect_dma source(%dma_start3A_532 : memref<1024x64xf32, #tpu.memory_space<hbm>>) target(%dma_start3A_524 : memref<128x64xf32, #tpu.memory_space<vmem>>) offsets(%dma_start3A_525 : memref<128xi32, #tpu.memory_space<vmem>>) semaphore(%dma_start3A_534 : memref<!tpu.dma_semaphore, #tpu.memory_space<semaphore_mem>>)
      %add3A_535 = arith.constant 2 : i32
      %add3A_536 = arith.addi %mul3A_296, %add3A_535 : i32
      %mul3A_537 = arith.constant 128 : i32
      %mul3A_538 = arith.muli %add3A_536, %mul3A_537 : i32
      %add3A_539 = arith.addi %mul3A_9, %mul3A_538 : i32
      %dma_wait3A_540 = arith.constant 2 : i32
      %dma_wait3A_541 = arith.constant 2 : i32
      %dma_wait3A_542 = arith.constant 0 : i32
      %dma_wait3A_543 = arith.constant 0 : i32
      %dma_wait3A_544 = tpu.memref_slice %arg7[%dma_wait3A_540, %dma_wait3A_542, %dma_wait3A_543] : memref<4x128x64xf32, #tpu.memory_space<vmem>> -> memref<1x128x64xf32, #tpu.memory_space<vmem>>
      %dma_wait3A_545 = tpu.memref_squeeze %dma_wait3A_544 : memref<1x128x64xf32, #tpu.memory_space<vmem>> -> memref<128x64xf32, #tpu.memory_space<vmem>>
      %dma_wait3A_546 = arith.constant 0 : i32
      %dma_wait3A_547 = tpu.memref_slice %arg4[%add3A_539, %dma_wait3A_546] : memref<819200x64xf32, #tpu.memory_space<hbm>> -> memref<128x64xf32, #tpu.memory_space<hbm>>
      %dma_wait3A_548 = tpu.memref_slice %arg10[%dma_wait3A_541] : memref<4x!tpu.dma_semaphore, #tpu.memory_space<semaphore_mem>> -> memref<1x!tpu.dma_semaphore, #tpu.memory_space<semaphore_mem>>
      %dma_wait3A_549 = tpu.memref_squeeze %dma_wait3A_548 : memref<1x!tpu.dma_semaphore, #tpu.memory_space<semaphore_mem>> -> memref<!tpu.dma_semaphore, #tpu.memory_space<semaphore_mem>>
      %dma_wait3A_550 = arith.constant 0 : i32
      %dma_wait3A_551 = tpu.memref_slice %arg4[%add3A_539, %dma_wait3A_550] : memref<819200x64xf32, #tpu.memory_space<hbm>> -> memref<128x64xf32, #tpu.memory_space<hbm>>
      %dma_wait3A_552 = arith.constant 0 : i32
      %dma_wait3A_553 = arith.constant 0 : i32
      %dma_wait3A_554 = tpu.memref_slice %arg7[%dma_wait3A_540, %dma_wait3A_552, %dma_wait3A_553] : memref<4x128x64xf32, #tpu.memory_space<vmem>> -> memref<1x128x64xf32, #tpu.memory_space<vmem>>
      %dma_wait3A_555 = tpu.memref_squeeze %dma_wait3A_554 : memref<1x128x64xf32, #tpu.memory_space<vmem>> -> memref<128x64xf32, #tpu.memory_space<vmem>>
      tpu.wait_dma2 semaphore(%dma_wait3A_549 : memref<!tpu.dma_semaphore, #tpu.memory_space<semaphore_mem>>) src(%dma_wait3A_555 : memref<128x64xf32, #tpu.memory_space<vmem>>) dst(%dma_wait3A_551 : memref<128x64xf32, #tpu.memory_space<hbm>>)
      %add3A_556 = arith.constant 4 : i32
      %add3A_557 = arith.addi %mul3A_296, %add3A_556 : i32
      %add3A_558 = arith.constant 2 : i32
      %add3A_559 = arith.addi %add3A_557, %add3A_558 : i32
      %mul3A_560 = arith.constant 128 : i32
      %mul3A_561 = arith.muli %add3A_559, %mul3A_560 : i32
      %dma_start3A_562 = arith.constant 2 : i32
      %dma_start3A_563 = arith.constant 2 : i32
      %dma_start3A_564 = arith.constant 0 : i32
      %dma_start3A_565 = arith.constant 0 : i32
      %dma_start3A_566 = tpu.memref_slice %arg7[%dma_start3A_562, %dma_start3A_564, %dma_start3A_565] : memref<4x128x64xf32, #tpu.memory_space<vmem>> -> memref<1x128x64xf32, #tpu.memory_space<vmem>>
      %dma_start3A_567 = tpu.memref_squeeze %dma_start3A_566 : memref<1x128x64xf32, #tpu.memory_space<vmem>> -> memref<128x64xf32, #tpu.memory_space<vmem>>
      %dma_start3A_568 = tpu.memref_slice %arg6[%mul3A_561] : memref<25600xi32, #tpu.memory_space<vmem>> -> memref<128xi32, #tpu.memory_space<vmem>>
      %dma_start3A_569 = arith.constant 0 : i32
      %dma_start3A_570 = arith.constant 0 : i32
      %dma_start3A_571 = tpu.memref_slice %arg5[%arg0, %dma_start3A_569, %dma_start3A_570] : memref<2x1024x64xf32, #tpu.memory_space<hbm>> -> memref<1x1024x64xf32, #tpu.memory_space<hbm>>
      %dma_start3A_572 = tpu.memref_squeeze %dma_start3A_571 : memref<1x1024x64xf32, #tpu.memory_space<hbm>> -> memref<1024x64xf32, #tpu.memory_space<hbm>>
      %dma_start3A_573 = arith.constant 0 : i32
      %dma_start3A_574 = arith.constant 0 : i32
      %dma_start3A_575 = tpu.memref_slice %dma_start3A_572[%dma_start3A_573, %dma_start3A_574] : memref<1024x64xf32, #tpu.memory_space<hbm>> -> memref<1024x64xf32, #tpu.memory_space<hbm>>
      %dma_start3A_576 = tpu.memref_slice %arg9[%dma_start3A_563] : memref<4x!tpu.dma_semaphore, #tpu.memory_space<semaphore_mem>> -> memref<1x!tpu.dma_semaphore, #tpu.memory_space<semaphore_mem>>
      %dma_start3A_577 = tpu.memref_squeeze %dma_start3A_576 : memref<1x!tpu.dma_semaphore, #tpu.memory_space<semaphore_mem>> -> memref<!tpu.dma_semaphore, #tpu.memory_space<semaphore_mem>>
      tpu.enqueue_indirect_dma source(%dma_start3A_575 : memref<1024x64xf32, #tpu.memory_space<hbm>>) target(%dma_start3A_567 : memref<128x64xf32, #tpu.memory_space<vmem>>) offsets(%dma_start3A_568 : memref<128xi32, #tpu.memory_space<vmem>>) semaphore(%dma_start3A_577 : memref<!tpu.dma_semaphore, #tpu.memory_space<semaphore_mem>>)
      %add3A_578 = arith.constant 3 : i32
      %add3A_579 = arith.addi %mul3A_296, %add3A_578 : i32
      %mul3A_580 = arith.constant 128 : i32
      %mul3A_581 = arith.muli %add3A_579, %mul3A_580 : i32
      %add3A_582 = arith.addi %mul3A_9, %mul3A_581 : i32
      %dma_wait3A_583 = arith.constant 3 : i32
      %dma_wait3A_584 = arith.constant 3 : i32
      %dma_wait3A_585 = arith.constant 0 : i32
      %dma_wait3A_586 = arith.constant 0 : i32
      %dma_wait3A_587 = tpu.memref_slice %arg7[%dma_wait3A_583, %dma_wait3A_585, %dma_wait3A_586] : memref<4x128x64xf32, #tpu.memory_space<vmem>> -> memref<1x128x64xf32, #tpu.memory_space<vmem>>
      %dma_wait3A_588 = tpu.memref_squeeze %dma_wait3A_587 : memref<1x128x64xf32, #tpu.memory_space<vmem>> -> memref<128x64xf32, #tpu.memory_space<vmem>>
      %dma_wait3A_589 = arith.constant 0 : i32
      %dma_wait3A_590 = tpu.memref_slice %arg4[%add3A_582, %dma_wait3A_589] : memref<819200x64xf32, #tpu.memory_space<hbm>> -> memref<128x64xf32, #tpu.memory_space<hbm>>
      %dma_wait3A_591 = tpu.memref_slice %arg10[%dma_wait3A_584] : memref<4x!tpu.dma_semaphore, #tpu.memory_space<semaphore_mem>> -> memref<1x!tpu.dma_semaphore, #tpu.memory_space<semaphore_mem>>
      %dma_wait3A_592 = tpu.memref_squeeze %dma_wait3A_591 : memref<1x!tpu.dma_semaphore, #tpu.memory_space<semaphore_mem>> -> memref<!tpu.dma_semaphore, #tpu.memory_space<semaphore_mem>>
      %dma_wait3A_593 = arith.constant 0 : i32
      %dma_wait3A_594 = tpu.memref_slice %arg4[%add3A_582, %dma_wait3A_593] : memref<819200x64xf32, #tpu.memory_space<hbm>> -> memref<128x64xf32, #tpu.memory_space<hbm>>
      %dma_wait3A_595 = arith.constant 0 : i32
      %dma_wait3A_596 = arith.constant 0 : i32
      %dma_wait3A_597 = tpu.memref_slice %arg7[%dma_wait3A_583, %dma_wait3A_595, %dma_wait3A_596] : memref<4x128x64xf32, #tpu.memory_space<vmem>> -> memref<1x128x64xf32, #tpu.memory_space<vmem>>
      %dma_wait3A_598 = tpu.memref_squeeze %dma_wait3A_597 : memref<1x128x64xf32, #tpu.memory_space<vmem>> -> memref<128x64xf32, #tpu.memory_space<vmem>>
      tpu.wait_dma2 semaphore(%dma_wait3A_592 : memref<!tpu.dma_semaphore, #tpu.memory_space<semaphore_mem>>) src(%dma_wait3A_598 : memref<128x64xf32, #tpu.memory_space<vmem>>) dst(%dma_wait3A_594 : memref<128x64xf32, #tpu.memory_space<hbm>>)
      %add3A_599 = arith.constant 4 : i32
      %add3A_600 = arith.addi %mul3A_296, %add3A_599 : i32
      %add3A_601 = arith.constant 3 : i32
      %add3A_602 = arith.addi %add3A_600, %add3A_601 : i32
      %mul3A_603 = arith.constant 128 : i32
      %mul3A_604 = arith.muli %add3A_602, %mul3A_603 : i32
      %dma_start3A_605 = arith.constant 3 : i32
      %dma_start3A_606 = arith.constant 3 : i32
      %dma_start3A_607 = arith.constant 0 : i32
      %dma_start3A_608 = arith.constant 0 : i32
      %dma_start3A_609 = tpu.memref_slice %arg7[%dma_start3A_605, %dma_start3A_607, %dma_start3A_608] : memref<4x128x64xf32, #tpu.memory_space<vmem>> -> memref<1x128x64xf32, #tpu.memory_space<vmem>>
      %dma_start3A_610 = tpu.memref_squeeze %dma_start3A_609 : memref<1x128x64xf32, #tpu.memory_space<vmem>> -> memref<128x64xf32, #tpu.memory_space<vmem>>
      %dma_start3A_611 = tpu.memref_slice %arg6[%mul3A_604] : memref<25600xi32, #tpu.memory_space<vmem>> -> memref<128xi32, #tpu.memory_space<vmem>>
      %dma_start3A_612 = arith.constant 0 : i32
      %dma_start3A_613 = arith.constant 0 : i32
      %dma_start3A_614 = tpu.memref_slice %arg5[%arg0, %dma_start3A_612, %dma_start3A_613] : memref<2x1024x64xf32, #tpu.memory_space<hbm>> -> memref<1x1024x64xf32, #tpu.memory_space<hbm>>
      %dma_start3A_615 = tpu.memref_squeeze %dma_start3A_614 : memref<1x1024x64xf32, #tpu.memory_space<hbm>> -> memref<1024x64xf32, #tpu.memory_space<hbm>>
      %dma_start3A_616 = arith.constant 0 : i32
      %dma_start3A_617 = arith.constant 0 : i32
      %dma_start3A_618 = tpu.memref_slice %dma_start3A_615[%dma_start3A_616, %dma_start3A_617] : memref<1024x64xf32, #tpu.memory_space<hbm>> -> memref<1024x64xf32, #tpu.memory_space<hbm>>
      %dma_start3A_619 = tpu.memref_slice %arg9[%dma_start3A_606] : memref<4x!tpu.dma_semaphore, #tpu.memory_space<semaphore_mem>> -> memref<1x!tpu.dma_semaphore, #tpu.memory_space<semaphore_mem>>
      %dma_start3A_620 = tpu.memref_squeeze %dma_start3A_619 : memref<1x!tpu.dma_semaphore, #tpu.memory_space<semaphore_mem>> -> memref<!tpu.dma_semaphore, #tpu.memory_space<semaphore_mem>>
      tpu.enqueue_indirect_dma source(%dma_start3A_618 : memref<1024x64xf32, #tpu.memory_space<hbm>>) target(%dma_start3A_610 : memref<128x64xf32, #tpu.memory_space<vmem>>) offsets(%dma_start3A_611 : memref<128xi32, #tpu.memory_space<vmem>>) semaphore(%dma_start3A_620 : memref<!tpu.dma_semaphore, #tpu.memory_space<semaphore_mem>>)
    }
    %scan3A_82 = arith.constant 49 : i32
    %dma_wait3A = arith.constant 0 : i32
    %dma_wait3A_83 = arith.constant 0 : i32
    %dma_wait3A_84 = arith.constant 0 : i32
    %dma_wait3A_85 = arith.constant 0 : i32
    %dma_wait3A_86 = tpu.memref_slice %arg7[%dma_wait3A, %dma_wait3A_84, %dma_wait3A_85] : memref<4x128x64xf32, #tpu.memory_space<vmem>> -> memref<1x128x64xf32, #tpu.memory_space<vmem>>
    %dma_wait3A_87 = tpu.memref_squeeze %dma_wait3A_86 : memref<1x128x64xf32, #tpu.memory_space<vmem>> -> memref<128x64xf32, #tpu.memory_space<vmem>>
    %dma_wait3A_88 = arith.constant 0 : i32
    %dma_wait3A_89 = tpu.memref_slice %arg6[%dma_wait3A_88] : memref<25600xi32, #tpu.memory_space<vmem>> -> memref<128xi32, #tpu.memory_space<vmem>>
    %dma_wait3A_90 = arith.constant 0 : i32
    %dma_wait3A_91 = arith.constant 0 : i32
    %dma_wait3A_92 = tpu.memref_slice %arg5[%arg0, %dma_wait3A_90, %dma_wait3A_91] : memref<2x1024x64xf32, #tpu.memory_space<hbm>> -> memref<1x1024x64xf32, #tpu.memory_space<hbm>>
    %dma_wait3A_93 = tpu.memref_squeeze %dma_wait3A_92 : memref<1x1024x64xf32, #tpu.memory_space<hbm>> -> memref<1024x64xf32, #tpu.memory_space<hbm>>
    %dma_wait3A_94 = arith.constant 0 : i32
    %dma_wait3A_95 = arith.constant 0 : i32
    %dma_wait3A_96 = tpu.memref_slice %dma_wait3A_93[%dma_wait3A_94, %dma_wait3A_95] : memref<1024x64xf32, #tpu.memory_space<hbm>> -> memref<1024x64xf32, #tpu.memory_space<hbm>>
    %dma_wait3A_97 = tpu.memref_slice %arg9[%dma_wait3A_83] : memref<4x!tpu.dma_semaphore, #tpu.memory_space<semaphore_mem>> -> memref<1x!tpu.dma_semaphore, #tpu.memory_space<semaphore_mem>>
    %dma_wait3A_98 = tpu.memref_squeeze %dma_wait3A_97 : memref<1x!tpu.dma_semaphore, #tpu.memory_space<semaphore_mem>> -> memref<!tpu.dma_semaphore, #tpu.memory_space<semaphore_mem>>
    tpu.wait_indirect_dma semaphore(%dma_wait3A_98 : memref<!tpu.dma_semaphore, #tpu.memory_space<semaphore_mem>>) src(%dma_wait3A_96 : memref<1024x64xf32, #tpu.memory_space<hbm>>) dst(%dma_wait3A_87 : memref<128x64xf32, #tpu.memory_space<vmem>>)
    %add3A_99 = arith.constant 25088 : i32
    %add3A_100 = arith.addi %mul3A_9, %add3A_99 : i32
    %dma_start3A_101 = arith.constant 0 : i32
    %dma_start3A_102 = arith.constant 0 : i32
    %dma_start3A_103 = arith.constant 0 : i32
    %dma_start3A_104 = arith.constant 0 : i32
    %dma_start3A_105 = tpu.memref_slice %arg7[%dma_start3A_101, %dma_start3A_103, %dma_start3A_104] : memref<4x128x64xf32, #tpu.memory_space<vmem>> -> memref<1x128x64xf32, #tpu.memory_space<vmem>>
    %dma_start3A_106 = tpu.memref_squeeze %dma_start3A_105 : memref<1x128x64xf32, #tpu.memory_space<vmem>> -> memref<128x64xf32, #tpu.memory_space<vmem>>
    %dma_start3A_107 = arith.constant 0 : i32
    %dma_start3A_108 = tpu.memref_slice %arg4[%add3A_100, %dma_start3A_107] : memref<819200x64xf32, #tpu.memory_space<hbm>> -> memref<128x64xf32, #tpu.memory_space<hbm>>
    %dma_start3A_109 = tpu.memref_slice %arg10[%dma_start3A_102] : memref<4x!tpu.dma_semaphore, #tpu.memory_space<semaphore_mem>> -> memref<1x!tpu.dma_semaphore, #tpu.memory_space<semaphore_mem>>
    %dma_start3A_110 = tpu.memref_squeeze %dma_start3A_109 : memref<1x!tpu.dma_semaphore, #tpu.memory_space<semaphore_mem>> -> memref<!tpu.dma_semaphore, #tpu.memory_space<semaphore_mem>>
    %dma_start3A_111 = arith.constant 0 : i32
    %dma_start3A_112 = tpu.memref_slice %arg4[%add3A_100, %dma_start3A_111] : memref<819200x64xf32, #tpu.memory_space<hbm>> -> memref<128x64xf32, #tpu.memory_space<hbm>>
    %dma_start3A_113 = arith.constant 0 : i32
    %dma_start3A_114 = arith.constant 0 : i32
    %dma_start3A_115 = tpu.memref_slice %arg7[%dma_start3A_101, %dma_start3A_113, %dma_start3A_114] : memref<4x128x64xf32, #tpu.memory_space<vmem>> -> memref<1x128x64xf32, #tpu.memory_space<vmem>>
    %dma_start3A_116 = tpu.memref_squeeze %dma_start3A_115 : memref<1x128x64xf32, #tpu.memory_space<vmem>> -> memref<128x64xf32, #tpu.memory_space<vmem>>
    tpu.enqueue_dma source(%dma_start3A_116 : memref<128x64xf32, #tpu.memory_space<vmem>>) target(%dma_start3A_112 : memref<128x64xf32, #tpu.memory_space<hbm>>) target_semaphore(%dma_start3A_110 : memref<!tpu.dma_semaphore, #tpu.memory_space<semaphore_mem>>)
    %dma_wait3A_117 = arith.constant 1 : i32
    %dma_wait3A_118 = arith.constant 1 : i32
    %dma_wait3A_119 = arith.constant 0 : i32
    %dma_wait3A_120 = arith.constant 0 : i32
    %dma_wait3A_121 = tpu.memref_slice %arg7[%dma_wait3A_117, %dma_wait3A_119, %dma_wait3A_120] : memref<4x128x64xf32, #tpu.memory_space<vmem>> -> memref<1x128x64xf32, #tpu.memory_space<vmem>>
    %dma_wait3A_122 = tpu.memref_squeeze %dma_wait3A_121 : memref<1x128x64xf32, #tpu.memory_space<vmem>> -> memref<128x64xf32, #tpu.memory_space<vmem>>
    %dma_wait3A_123 = arith.constant 0 : i32
    %dma_wait3A_124 = tpu.memref_slice %arg6[%dma_wait3A_123] : memref<25600xi32, #tpu.memory_space<vmem>> -> memref<128xi32, #tpu.memory_space<vmem>>
    %dma_wait3A_125 = arith.constant 0 : i32
    %dma_wait3A_126 = arith.constant 0 : i32
    %dma_wait3A_127 = tpu.memref_slice %arg5[%arg0, %dma_wait3A_125, %dma_wait3A_126] : memref<2x1024x64xf32, #tpu.memory_space<hbm>> -> memref<1x1024x64xf32, #tpu.memory_space<hbm>>
    %dma_wait3A_128 = tpu.memref_squeeze %dma_wait3A_127 : memref<1x1024x64xf32, #tpu.memory_space<hbm>> -> memref<1024x64xf32, #tpu.memory_space<hbm>>
    %dma_wait3A_129 = arith.constant 0 : i32
    %dma_wait3A_130 = arith.constant 0 : i32
    %dma_wait3A_131 = tpu.memref_slice %dma_wait3A_128[%dma_wait3A_129, %dma_wait3A_130] : memref<1024x64xf32, #tpu.memory_space<hbm>> -> memref<1024x64xf32, #tpu.memory_space<hbm>>
    %dma_wait3A_132 = tpu.memref_slice %arg9[%dma_wait3A_118] : memref<4x!tpu.dma_semaphore, #tpu.memory_space<semaphore_mem>> -> memref<1x!tpu.dma_semaphore, #tpu.memory_space<semaphore_mem>>
    %dma_wait3A_133 = tpu.memref_squeeze %dma_wait3A_132 : memref<1x!tpu.dma_semaphore, #tpu.memory_space<semaphore_mem>> -> memref<!tpu.dma_semaphore, #tpu.memory_space<semaphore_mem>>
    tpu.wait_indirect_dma semaphore(%dma_wait3A_133 : memref<!tpu.dma_semaphore, #tpu.memory_space<semaphore_mem>>) src(%dma_wait3A_131 : memref<1024x64xf32, #tpu.memory_space<hbm>>) dst(%dma_wait3A_122 : memref<128x64xf32, #tpu.memory_space<vmem>>)
    %add3A_134 = arith.constant 25216 : i32
    %add3A_135 = arith.addi %mul3A_9, %add3A_134 : i32
    %dma_start3A_136 = arith.constant 1 : i32
    %dma_start3A_137 = arith.constant 1 : i32
    %dma_start3A_138 = arith.constant 0 : i32
    %dma_start3A_139 = arith.constant 0 : i32
    %dma_start3A_140 = tpu.memref_slice %arg7[%dma_start3A_136, %dma_start3A_138, %dma_start3A_139] : memref<4x128x64xf32, #tpu.memory_space<vmem>> -> memref<1x128x64xf32, #tpu.memory_space<vmem>>
    %dma_start3A_141 = tpu.memref_squeeze %dma_start3A_140 : memref<1x128x64xf32, #tpu.memory_space<vmem>> -> memref<128x64xf32, #tpu.memory_space<vmem>>
    %dma_start3A_142 = arith.constant 0 : i32
    %dma_start3A_143 = tpu.memref_slice %arg4[%add3A_135, %dma_start3A_142] : memref<819200x64xf32, #tpu.memory_space<hbm>> -> memref<128x64xf32, #tpu.memory_space<hbm>>
    %dma_start3A_144 = tpu.memref_slice %arg10[%dma_start3A_137] : memref<4x!tpu.dma_semaphore, #tpu.memory_space<semaphore_mem>> -> memref<1x!tpu.dma_semaphore, #tpu.memory_space<semaphore_mem>>
    %dma_start3A_145 = tpu.memref_squeeze %dma_start3A_144 : memref<1x!tpu.dma_semaphore, #tpu.memory_space<semaphore_mem>> -> memref<!tpu.dma_semaphore, #tpu.memory_space<semaphore_mem>>
    %dma_start3A_146 = arith.constant 0 : i32
    %dma_start3A_147 = tpu.memref_slice %arg4[%add3A_135, %dma_start3A_146] : memref<819200x64xf32, #tpu.memory_space<hbm>> -> memref<128x64xf32, #tpu.memory_space<hbm>>
    %dma_start3A_148 = arith.constant 0 : i32
    %dma_start3A_149 = arith.constant 0 : i32
    %dma_start3A_150 = tpu.memref_slice %arg7[%dma_start3A_136, %dma_start3A_148, %dma_start3A_149] : memref<4x128x64xf32, #tpu.memory_space<vmem>> -> memref<1x128x64xf32, #tpu.memory_space<vmem>>
    %dma_start3A_151 = tpu.memref_squeeze %dma_start3A_150 : memref<1x128x64xf32, #tpu.memory_space<vmem>> -> memref<128x64xf32, #tpu.memory_space<vmem>>
    tpu.enqueue_dma source(%dma_start3A_151 : memref<128x64xf32, #tpu.memory_space<vmem>>) target(%dma_start3A_147 : memref<128x64xf32, #tpu.memory_space<hbm>>) target_semaphore(%dma_start3A_145 : memref<!tpu.dma_semaphore, #tpu.memory_space<semaphore_mem>>)
    %dma_wait3A_152 = arith.constant 2 : i32
    %dma_wait3A_153 = arith.constant 2 : i32
    %dma_wait3A_154 = arith.constant 0 : i32
    %dma_wait3A_155 = arith.constant 0 : i32
    %dma_wait3A_156 = tpu.memref_slice %arg7[%dma_wait3A_152, %dma_wait3A_154, %dma_wait3A_155] : memref<4x128x64xf32, #tpu.memory_space<vmem>> -> memref<1x128x64xf32, #tpu.memory_space<vmem>>
    %dma_wait3A_157 = tpu.memref_squeeze %dma_wait3A_156 : memref<1x128x64xf32, #tpu.memory_space<vmem>> -> memref<128x64xf32, #tpu.memory_space<vmem>>
    %dma_wait3A_158 = arith.constant 0 : i32
    %dma_wait3A_159 = tpu.memref_slice %arg6[%dma_wait3A_158] : memref<25600xi32, #tpu.memory_space<vmem>> -> memref<128xi32, #tpu.memory_space<vmem>>
    %dma_wait3A_160 = arith.constant 0 : i32
    %dma_wait3A_161 = arith.constant 0 : i32
    %dma_wait3A_162 = tpu.memref_slice %arg5[%arg0, %dma_wait3A_160, %dma_wait3A_161] : memref<2x1024x64xf32, #tpu.memory_space<hbm>> -> memref<1x1024x64xf32, #tpu.memory_space<hbm>>
    %dma_wait3A_163 = tpu.memref_squeeze %dma_wait3A_162 : memref<1x1024x64xf32, #tpu.memory_space<hbm>> -> memref<1024x64xf32, #tpu.memory_space<hbm>>
    %dma_wait3A_164 = arith.constant 0 : i32
    %dma_wait3A_165 = arith.constant 0 : i32
    %dma_wait3A_166 = tpu.memref_slice %dma_wait3A_163[%dma_wait3A_164, %dma_wait3A_165] : memref<1024x64xf32, #tpu.memory_space<hbm>> -> memref<1024x64xf32, #tpu.memory_space<hbm>>
    %dma_wait3A_167 = tpu.memref_slice %arg9[%dma_wait3A_153] : memref<4x!tpu.dma_semaphore, #tpu.memory_space<semaphore_mem>> -> memref<1x!tpu.dma_semaphore, #tpu.memory_space<semaphore_mem>>
    %dma_wait3A_168 = tpu.memref_squeeze %dma_wait3A_167 : memref<1x!tpu.dma_semaphore, #tpu.memory_space<semaphore_mem>> -> memref<!tpu.dma_semaphore, #tpu.memory_space<semaphore_mem>>
    tpu.wait_indirect_dma semaphore(%dma_wait3A_168 : memref<!tpu.dma_semaphore, #tpu.memory_space<semaphore_mem>>) src(%dma_wait3A_166 : memref<1024x64xf32, #tpu.memory_space<hbm>>) dst(%dma_wait3A_157 : memref<128x64xf32, #tpu.memory_space<vmem>>)
    %add3A_169 = arith.constant 25344 : i32
    %add3A_170 = arith.addi %mul3A_9, %add3A_169 : i32
    %dma_start3A_171 = arith.constant 2 : i32
    %dma_start3A_172 = arith.constant 2 : i32
    %dma_start3A_173 = arith.constant 0 : i32
    %dma_start3A_174 = arith.constant 0 : i32
    %dma_start3A_175 = tpu.memref_slice %arg7[%dma_start3A_171, %dma_start3A_173, %dma_start3A_174] : memref<4x128x64xf32, #tpu.memory_space<vmem>> -> memref<1x128x64xf32, #tpu.memory_space<vmem>>
    %dma_start3A_176 = tpu.memref_squeeze %dma_start3A_175 : memref<1x128x64xf32, #tpu.memory_space<vmem>> -> memref<128x64xf32, #tpu.memory_space<vmem>>
    %dma_start3A_177 = arith.constant 0 : i32
    %dma_start3A_178 = tpu.memref_slice %arg4[%add3A_170, %dma_start3A_177] : memref<819200x64xf32, #tpu.memory_space<hbm>> -> memref<128x64xf32, #tpu.memory_space<hbm>>
    %dma_start3A_179 = tpu.memref_slice %arg10[%dma_start3A_172] : memref<4x!tpu.dma_semaphore, #tpu.memory_space<semaphore_mem>> -> memref<1x!tpu.dma_semaphore, #tpu.memory_space<semaphore_mem>>
    %dma_start3A_180 = tpu.memref_squeeze %dma_start3A_179 : memref<1x!tpu.dma_semaphore, #tpu.memory_space<semaphore_mem>> -> memref<!tpu.dma_semaphore, #tpu.memory_space<semaphore_mem>>
    %dma_start3A_181 = arith.constant 0 : i32
    %dma_start3A_182 = tpu.memref_slice %arg4[%add3A_170, %dma_start3A_181] : memref<819200x64xf32, #tpu.memory_space<hbm>> -> memref<128x64xf32, #tpu.memory_space<hbm>>
    %dma_start3A_183 = arith.constant 0 : i32
    %dma_start3A_184 = arith.constant 0 : i32
    %dma_start3A_185 = tpu.memref_slice %arg7[%dma_start3A_171, %dma_start3A_183, %dma_start3A_184] : memref<4x128x64xf32, #tpu.memory_space<vmem>> -> memref<1x128x64xf32, #tpu.memory_space<vmem>>
    %dma_start3A_186 = tpu.memref_squeeze %dma_start3A_185 : memref<1x128x64xf32, #tpu.memory_space<vmem>> -> memref<128x64xf32, #tpu.memory_space<vmem>>
    tpu.enqueue_dma source(%dma_start3A_186 : memref<128x64xf32, #tpu.memory_space<vmem>>) target(%dma_start3A_182 : memref<128x64xf32, #tpu.memory_space<hbm>>) target_semaphore(%dma_start3A_180 : memref<!tpu.dma_semaphore, #tpu.memory_space<semaphore_mem>>)
    %dma_wait3A_187 = arith.constant 3 : i32
    %dma_wait3A_188 = arith.constant 3 : i32
    %dma_wait3A_189 = arith.constant 0 : i32
    %dma_wait3A_190 = arith.constant 0 : i32
    %dma_wait3A_191 = tpu.memref_slice %arg7[%dma_wait3A_187, %dma_wait3A_189, %dma_wait3A_190] : memref<4x128x64xf32, #tpu.memory_space<vmem>> -> memref<1x128x64xf32, #tpu.memory_space<vmem>>
    %dma_wait3A_192 = tpu.memref_squeeze %dma_wait3A_191 : memref<1x128x64xf32, #tpu.memory_space<vmem>> -> memref<128x64xf32, #tpu.memory_space<vmem>>
    %dma_wait3A_193 = arith.constant 0 : i32
    %dma_wait3A_194 = tpu.memref_slice %arg6[%dma_wait3A_193] : memref<25600xi32, #tpu.memory_space<vmem>> -> memref<128xi32, #tpu.memory_space<vmem>>
    %dma_wait3A_195 = arith.constant 0 : i32
    %dma_wait3A_196 = arith.constant 0 : i32
    %dma_wait3A_197 = tpu.memref_slice %arg5[%arg0, %dma_wait3A_195, %dma_wait3A_196] : memref<2x1024x64xf32, #tpu.memory_space<hbm>> -> memref<1x1024x64xf32, #tpu.memory_space<hbm>>
    %dma_wait3A_198 = tpu.memref_squeeze %dma_wait3A_197 : memref<1x1024x64xf32, #tpu.memory_space<hbm>> -> memref<1024x64xf32, #tpu.memory_space<hbm>>
    %dma_wait3A_199 = arith.constant 0 : i32
    %dma_wait3A_200 = arith.constant 0 : i32
    %dma_wait3A_201 = tpu.memref_slice %dma_wait3A_198[%dma_wait3A_199, %dma_wait3A_200] : memref<1024x64xf32, #tpu.memory_space<hbm>> -> memref<1024x64xf32, #tpu.memory_space<hbm>>
    %dma_wait3A_202 = tpu.memref_slice %arg9[%dma_wait3A_188] : memref<4x!tpu.dma_semaphore, #tpu.memory_space<semaphore_mem>> -> memref<1x!tpu.dma_semaphore, #tpu.memory_space<semaphore_mem>>
    %dma_wait3A_203 = tpu.memref_squeeze %dma_wait3A_202 : memref<1x!tpu.dma_semaphore, #tpu.memory_space<semaphore_mem>> -> memref<!tpu.dma_semaphore, #tpu.memory_space<semaphore_mem>>
    tpu.wait_indirect_dma semaphore(%dma_wait3A_203 : memref<!tpu.dma_semaphore, #tpu.memory_space<semaphore_mem>>) src(%dma_wait3A_201 : memref<1024x64xf32, #tpu.memory_space<hbm>>) dst(%dma_wait3A_192 : memref<128x64xf32, #tpu.memory_space<vmem>>)
    %add3A_204 = arith.constant 25472 : i32
    %add3A_205 = arith.addi %mul3A_9, %add3A_204 : i32
    %dma_start3A_206 = arith.constant 3 : i32
    %dma_start3A_207 = arith.constant 3 : i32
    %dma_start3A_208 = arith.constant 0 : i32
    %dma_start3A_209 = arith.constant 0 : i32
    %dma_start3A_210 = tpu.memref_slice %arg7[%dma_start3A_206, %dma_start3A_208, %dma_start3A_209] : memref<4x128x64xf32, #tpu.memory_space<vmem>> -> memref<1x128x64xf32, #tpu.memory_space<vmem>>
    %dma_start3A_211 = tpu.memref_squeeze %dma_start3A_210 : memref<1x128x64xf32, #tpu.memory_space<vmem>> -> memref<128x64xf32, #tpu.memory_space<vmem>>
    %dma_start3A_212 = arith.constant 0 : i32
    %dma_start3A_213 = tpu.memref_slice %arg4[%add3A_205, %dma_start3A_212] : memref<819200x64xf32, #tpu.memory_space<hbm>> -> memref<128x64xf32, #tpu.memory_space<hbm>>
    %dma_start3A_214 = tpu.memref_slice %arg10[%dma_start3A_207] : memref<4x!tpu.dma_semaphore, #tpu.memory_space<semaphore_mem>> -> memref<1x!tpu.dma_semaphore, #tpu.memory_space<semaphore_mem>>
    %dma_start3A_215 = tpu.memref_squeeze %dma_start3A_214 : memref<1x!tpu.dma_semaphore, #tpu.memory_space<semaphore_mem>> -> memref<!tpu.dma_semaphore, #tpu.memory_space<semaphore_mem>>
    %dma_start3A_216 = arith.constant 0 : i32
    %dma_start3A_217 = tpu.memref_slice %arg4[%add3A_205, %dma_start3A_216] : memref<819200x64xf32, #tpu.memory_space<hbm>> -> memref<128x64xf32, #tpu.memory_space<hbm>>
    %dma_start3A_218 = arith.constant 0 : i32
    %dma_start3A_219 = arith.constant 0 : i32
    %dma_start3A_220 = tpu.memref_slice %arg7[%dma_start3A_206, %dma_start3A_218, %dma_start3A_219] : memref<4x128x64xf32, #tpu.memory_space<vmem>> -> memref<1x128x64xf32, #tpu.memory_space<vmem>>
    %dma_start3A_221 = tpu.memref_squeeze %dma_start3A_220 : memref<1x128x64xf32, #tpu.memory_space<vmem>> -> memref<128x64xf32, #tpu.memory_space<vmem>>
    tpu.enqueue_dma source(%dma_start3A_221 : memref<128x64xf32, #tpu.memory_space<vmem>>) target(%dma_start3A_217 : memref<128x64xf32, #tpu.memory_space<hbm>>) target_semaphore(%dma_start3A_215 : memref<!tpu.dma_semaphore, #tpu.memory_space<semaphore_mem>>)
    %add3A_222 = arith.constant 25088 : i32
    %add3A_223 = arith.addi %mul3A_9, %add3A_222 : i32
    %dma_wait3A_224 = arith.constant 0 : i32
    %dma_wait3A_225 = arith.constant 0 : i32
    %dma_wait3A_226 = arith.constant 0 : i32
    %dma_wait3A_227 = arith.constant 0 : i32
    %dma_wait3A_228 = tpu.memref_slice %arg7[%dma_wait3A_224, %dma_wait3A_226, %dma_wait3A_227] : memref<4x128x64xf32, #tpu.memory_space<vmem>> -> memref<1x128x64xf32, #tpu.memory_space<vmem>>
    %dma_wait3A_229 = tpu.memref_squeeze %dma_wait3A_228 : memref<1x128x64xf32, #tpu.memory_space<vmem>> -> memref<128x64xf32, #tpu.memory_space<vmem>>
    %dma_wait3A_230 = arith.constant 0 : i32
    %dma_wait3A_231 = tpu.memref_slice %arg4[%add3A_223, %dma_wait3A_230] : memref<819200x64xf32, #tpu.memory_space<hbm>> -> memref<128x64xf32, #tpu.memory_space<hbm>>
    %dma_wait3A_232 = tpu.memref_slice %arg10[%dma_wait3A_225] : memref<4x!tpu.dma_semaphore, #tpu.memory_space<semaphore_mem>> -> memref<1x!tpu.dma_semaphore, #tpu.memory_space<semaphore_mem>>
    %dma_wait3A_233 = tpu.memref_squeeze %dma_wait3A_232 : memref<1x!tpu.dma_semaphore, #tpu.memory_space<semaphore_mem>> -> memref<!tpu.dma_semaphore, #tpu.memory_space<semaphore_mem>>
    %dma_wait3A_234 = arith.constant 0 : i32
    %dma_wait3A_235 = tpu.memref_slice %arg4[%add3A_223, %dma_wait3A_234] : memref<819200x64xf32, #tpu.memory_space<hbm>> -> memref<128x64xf32, #tpu.memory_space<hbm>>
    %dma_wait3A_236 = arith.constant 0 : i32
    %dma_wait3A_237 = arith.constant 0 : i32
    %dma_wait3A_238 = tpu.memref_slice %arg7[%dma_wait3A_224, %dma_wait3A_236, %dma_wait3A_237] : memref<4x128x64xf32, #tpu.memory_space<vmem>> -> memref<1x128x64xf32, #tpu.memory_space<vmem>>
    %dma_wait3A_239 = tpu.memref_squeeze %dma_wait3A_238 : memref<1x128x64xf32, #tpu.memory_space<vmem>> -> memref<128x64xf32, #tpu.memory_space<vmem>>
    tpu.wait_dma2 semaphore(%dma_wait3A_233 : memref<!tpu.dma_semaphore, #tpu.memory_space<semaphore_mem>>) src(%dma_wait3A_239 : memref<128x64xf32, #tpu.memory_space<vmem>>) dst(%dma_wait3A_235 : memref<128x64xf32, #tpu.memory_space<hbm>>)
    %add3A_240 = arith.constant 25216 : i32
    %add3A_241 = arith.addi %mul3A_9, %add3A_240 : i32
    %dma_wait3A_242 = arith.constant 1 : i32
    %dma_wait3A_243 = arith.constant 1 : i32
    %dma_wait3A_244 = arith.constant 0 : i32
    %dma_wait3A_245 = arith.constant 0 : i32
    %dma_wait3A_246 = tpu.memref_slice %arg7[%dma_wait3A_242, %dma_wait3A_244, %dma_wait3A_245] : memref<4x128x64xf32, #tpu.memory_space<vmem>> -> memref<1x128x64xf32, #tpu.memory_space<vmem>>
    %dma_wait3A_247 = tpu.memref_squeeze %dma_wait3A_246 : memref<1x128x64xf32, #tpu.memory_space<vmem>> -> memref<128x64xf32, #tpu.memory_space<vmem>>
    %dma_wait3A_248 = arith.constant 0 : i32
    %dma_wait3A_249 = tpu.memref_slice %arg4[%add3A_241, %dma_wait3A_248] : memref<819200x64xf32, #tpu.memory_space<hbm>> -> memref<128x64xf32, #tpu.memory_space<hbm>>
    %dma_wait3A_250 = tpu.memref_slice %arg10[%dma_wait3A_243] : memref<4x!tpu.dma_semaphore, #tpu.memory_space<semaphore_mem>> -> memref<1x!tpu.dma_semaphore, #tpu.memory_space<semaphore_mem>>
    %dma_wait3A_251 = tpu.memref_squeeze %dma_wait3A_250 : memref<1x!tpu.dma_semaphore, #tpu.memory_space<semaphore_mem>> -> memref<!tpu.dma_semaphore, #tpu.memory_space<semaphore_mem>>
    %dma_wait3A_252 = arith.constant 0 : i32
    %dma_wait3A_253 = tpu.memref_slice %arg4[%add3A_241, %dma_wait3A_252] : memref<819200x64xf32, #tpu.memory_space<hbm>> -> memref<128x64xf32, #tpu.memory_space<hbm>>
    %dma_wait3A_254 = arith.constant 0 : i32
    %dma_wait3A_255 = arith.constant 0 : i32
    %dma_wait3A_256 = tpu.memref_slice %arg7[%dma_wait3A_242, %dma_wait3A_254, %dma_wait3A_255] : memref<4x128x64xf32, #tpu.memory_space<vmem>> -> memref<1x128x64xf32, #tpu.memory_space<vmem>>
    %dma_wait3A_257 = tpu.memref_squeeze %dma_wait3A_256 : memref<1x128x64xf32, #tpu.memory_space<vmem>> -> memref<128x64xf32, #tpu.memory_space<vmem>>
    tpu.wait_dma2 semaphore(%dma_wait3A_251 : memref<!tpu.dma_semaphore, #tpu.memory_space<semaphore_mem>>) src(%dma_wait3A_257 : memref<128x64xf32, #tpu.memory_space<vmem>>) dst(%dma_wait3A_253 : memref<128x64xf32, #tpu.memory_space<hbm>>)
    %add3A_258 = arith.constant 25344 : i32
    %add3A_259 = arith.addi %mul3A_9, %add3A_258 : i32
    %dma_wait3A_260 = arith.constant 2 : i32
    %dma_wait3A_261 = arith.constant 2 : i32
    %dma_wait3A_262 = arith.constant 0 : i32
    %dma_wait3A_263 = arith.constant 0 : i32
    %dma_wait3A_264 = tpu.memref_slice %arg7[%dma_wait3A_260, %dma_wait3A_262, %dma_wait3A_263] : memref<4x128x64xf32, #tpu.memory_space<vmem>> -> memref<1x128x64xf32, #tpu.memory_space<vmem>>
    %dma_wait3A_265 = tpu.memref_squeeze %dma_wait3A_264 : memref<1x128x64xf32, #tpu.memory_space<vmem>> -> memref<128x64xf32, #tpu.memory_space<vmem>>
    %dma_wait3A_266 = arith.constant 0 : i32
    %dma_wait3A_267 = tpu.memref_slice %arg4[%add3A_259, %dma_wait3A_266] : memref<819200x64xf32, #tpu.memory_space<hbm>> -> memref<128x64xf32, #tpu.memory_space<hbm>>
    %dma_wait3A_268 = tpu.memref_slice %arg10[%dma_wait3A_261] : memref<4x!tpu.dma_semaphore, #tpu.memory_space<semaphore_mem>> -> memref<1x!tpu.dma_semaphore, #tpu.memory_space<semaphore_mem>>
    %dma_wait3A_269 = tpu.memref_squeeze %dma_wait3A_268 : memref<1x!tpu.dma_semaphore, #tpu.memory_space<semaphore_mem>> -> memref<!tpu.dma_semaphore, #tpu.memory_space<semaphore_mem>>
    %dma_wait3A_270 = arith.constant 0 : i32
    %dma_wait3A_271 = tpu.memref_slice %arg4[%add3A_259, %dma_wait3A_270] : memref<819200x64xf32, #tpu.memory_space<hbm>> -> memref<128x64xf32, #tpu.memory_space<hbm>>
    %dma_wait3A_272 = arith.constant 0 : i32
    %dma_wait3A_273 = arith.constant 0 : i32
    %dma_wait3A_274 = tpu.memref_slice %arg7[%dma_wait3A_260, %dma_wait3A_272, %dma_wait3A_273] : memref<4x128x64xf32, #tpu.memory_space<vmem>> -> memref<1x128x64xf32, #tpu.memory_space<vmem>>
    %dma_wait3A_275 = tpu.memref_squeeze %dma_wait3A_274 : memref<1x128x64xf32, #tpu.memory_space<vmem>> -> memref<128x64xf32, #tpu.memory_space<vmem>>
    tpu.wait_dma2 semaphore(%dma_wait3A_269 : memref<!tpu.dma_semaphore, #tpu.memory_space<semaphore_mem>>) src(%dma_wait3A_275 : memref<128x64xf32, #tpu.memory_space<vmem>>) dst(%dma_wait3A_271 : memref<128x64xf32, #tpu.memory_space<hbm>>)
    %add3A_276 = arith.constant 25472 : i32
    %add3A_277 = arith.addi %mul3A_9, %add3A_276 : i32
    %dma_wait3A_278 = arith.constant 3 : i32
    %dma_wait3A_279 = arith.constant 3 : i32
    %dma_wait3A_280 = arith.constant 0 : i32
    %dma_wait3A_281 = arith.constant 0 : i32
    %dma_wait3A_282 = tpu.memref_slice %arg7[%dma_wait3A_278, %dma_wait3A_280, %dma_wait3A_281] : memref<4x128x64xf32, #tpu.memory_space<vmem>> -> memref<1x128x64xf32, #tpu.memory_space<vmem>>
    %dma_wait3A_283 = tpu.memref_squeeze %dma_wait3A_282 : memref<1x128x64xf32, #tpu.memory_space<vmem>> -> memref<128x64xf32, #tpu.memory_space<vmem>>
    %dma_wait3A_284 = arith.constant 0 : i32
    %dma_wait3A_285 = tpu.memref_slice %arg4[%add3A_277, %dma_wait3A_284] : memref<819200x64xf32, #tpu.memory_space<hbm>> -> memref<128x64xf32, #tpu.memory_space<hbm>>
    %dma_wait3A_286 = tpu.memref_slice %arg10[%dma_wait3A_279] : memref<4x!tpu.dma_semaphore, #tpu.memory_space<semaphore_mem>> -> memref<1x!tpu.dma_semaphore, #tpu.memory_space<semaphore_mem>>
    %dma_wait3A_287 = tpu.memref_squeeze %dma_wait3A_286 : memref<1x!tpu.dma_semaphore, #tpu.memory_space<semaphore_mem>> -> memref<!tpu.dma_semaphore, #tpu.memory_space<semaphore_mem>>
    %dma_wait3A_288 = arith.constant 0 : i32
    %dma_wait3A_289 = tpu.memref_slice %arg4[%add3A_277, %dma_wait3A_288] : memref<819200x64xf32, #tpu.memory_space<hbm>> -> memref<128x64xf32, #tpu.memory_space<hbm>>
    %dma_wait3A_290 = arith.constant 0 : i32
    %dma_wait3A_291 = arith.constant 0 : i32
    %dma_wait3A_292 = tpu.memref_slice %arg7[%dma_wait3A_278, %dma_wait3A_290, %dma_wait3A_291] : memref<4x128x64xf32, #tpu.memory_space<vmem>> -> memref<1x128x64xf32, #tpu.memory_space<vmem>>
    %dma_wait3A_293 = tpu.memref_squeeze %dma_wait3A_292 : memref<1x128x64xf32, #tpu.memory_space<vmem>> -> memref<128x64xf32, #tpu.memory_space<vmem>>
    tpu.wait_dma2 semaphore(%dma_wait3A_287 : memref<!tpu.dma_semaphore, #tpu.memory_space<semaphore_mem>>) src(%dma_wait3A_293 : memref<128x64xf32, #tpu.memory_space<vmem>>) dst(%dma_wait3A_289 : memref<128x64xf32, #tpu.memory_space<hbm>>)
    return
  }
}

</mosaic_0001>

<sc_bundles>
// kernel: kernel.3.cloned.1.call-start
scs
__scs_entry_jumppad:
0x0: {  	(pc) =	sbr.rel $0x88, $3  }
0x1: {  	(tag) =	ssettag $0x0;
	lr =	simm.s32 $0x1  }
0x2: {  	[smem:$0x3F9F] =	sst lr;
	_ =	strace $0xD0000000  }
0x3: {  	_ = 	snop  }
0x4: {  	_ = 	snop  }
0x5: {  	_ = 	snop  }
0x6: {  	_ = 	snop  }
0x7: {  	_ = 	snop  }
__scs_overlays_trampoline_lowered:
0x8: {  	[smem:$0x3FAE] =	sst s0  }
0x9: {  	[smem:$0x3FAF] =	sst s1  }
0xa: {  	[smem:$0x3FB0] =	sst s2  }
0xb: {  	[smem:$0x3FB1] =	sst s3  }
0xc: {  	[smem:$0x3FB2] =	sst s4  }
0xd: {  	[smem:$0x3FB3] =	sst s5  }
0xe: {  	[smem:$0x3FB4] =	sst s6  }
0xf: {  	[smem:$0x3FB5] =	sst s7  }
0x10: {  	[smem:$0x3FB6] =	sst s8  }
0x11: {  	[smem:$0x3FB7] =	sst s9;
	s0 =	simm.s32 @!p0 $0x0  }
0x12: {  	s1 =	sld [smem:$0x3F9D];
	s0 =	simm.s32 @p0 $0x1  }
0x13: {  	[smem:$0x3FB8] =	sst s0;
	s0 =	simm.s32 @!p1 $0x0  }
0x14: {  	s2 =	sld [smem:$0x3F9C];
	s0 =	simm.s32 @p1 $0x1  }
0x15: {  	[smem:$0x3FB9] =	sst s0;
	s0 =	simm.s32 @!p2 $0x0  }
0x16: {  	s3 =	sld [smem:$0x3FDB];
	s0 =	simm.s32 @p2 $0x1  }
0x17: {  	s4 =	simm.s32 $0x1BF5;
	[smem:$0x3FBB] =	sst s0  }
0x18: {  	s0 =	sld [smem:$0x3F9E];
	_ =	swait.ge [sflag:s4], $0x0  }
0x19: {  	s7 =	sld [smem:$0x3F9F]  }
0x1a: {  	s8 =	sadd.s32 $0xFFFFE003, lr  }
0x1b: {  	s9 =	sadd.s32 $0xFFFFFEF7, lr;
	s5 =	simm.s32 $0xFFFFFFFF;
	p2 =	slt.u32 s8, $0xFFFFF086  }
0x1c: {  	p1 =	slt.u32 s9, $0xF7A;
	s5 =	simm.s32 @!p2 $0x0  }
0x1d: {  	s5 =	simm.s32 @p1 $0x1;
	p0 =	seq.s32 s7, s2  }
0x1e: {  	s7 =	smul.u32 @!p0 $0xF7A, s2;
	p2 =	seq.s32 @!p0 s5, $0x0  }
0x1f: {  	s9 =	smul.u32 $0xF7A, s1;
	s8 =	simm.s32 @!p0 $0x1BF5;
	p2 =	por !p2, p0  }
0x20: {  	[sflag:s8] =	ssyncset.s32 @!p0 $0xFFFFF086;
	s6 =	sadd.s32 @!p0 s3, s7;
	s7 =	simm.s32 @!p0 $0x108  }
0x21: {  	s3 =	sadd.s32 s3, s9;
	s6 =	sadd.s32 @!p0 $0x88, s6;
	s7 =	simm.s32 @p2 $0x1082  }
0x22: {  	[simem:s7], [sflag:s8] =	dma.local @!p0 [hbm:s6], $0xF7A  }
0x23: {  	s9 =	sor.u32 $0xD0000000, s2;
	s6 =	simm.s32 $0x108;
	_ =	swait.ge @!p0 [sflag:s8], $0x0  }
0x24: {  	s3 =	sadd.s32 $0x88, s3;
	s6 =	simm.s32 @!p1 $0x1082;
	[sflag:s4] =	ssyncset.s32 $0xFFFFF086  }
0x25: {  	[simem:s6], [sflag:s4] =	dma.local [hbm:s3], $0xF7A  }
0x26: {  	[smem:$0x3F9F] =	sst s1;
	(tag) =	ssettag s2;
	_ =	strace s9  }
0x27: {  	s1 =	sld [smem:$0x3FAF]  }
0x28: {  	s2 =	sld [smem:$0x3FB0]  }
0x29: {  	s4 =	sld [smem:$0x3FB2]  }
0x2a: {  	p0 =	seq.s32 s5, $0x0;
	s5 =	sld [smem:$0x3FB3]  }
0x2b: {  	s6 =	sld [smem:$0x3FB4]  }
0x2c: {  	s7 =	sld [smem:$0x3FB5]  }
0x2d: {  	s3 =	simm.s32 $0x108;
	s8 =	sld [smem:$0x3FB6]  }
0x2e: {  	s3 =	simm.s32 @!p0 $0x1082;
	s9 =	sld [smem:$0x3FB7]  }
0x2f: {  	lr =	sadd.s32 s0, s3;
	s0 =	sld [smem:$0x3FAE]  }
0x30: {  	s3 =	sld [smem:$0x3FB1]  }
0x31: {  	[smem:$0x3FBA] =	sst s10  }
0x32: {  	s10 =	sld [smem:$0x3FB8];
	_ =	sdelay $0x3  }
0x33: {  	p0 =	seq.s32 s10, $0x1;
	s10 =	sld [smem:$0x3FBA];
	_ =	sdelay $0x3  }
0x34: {  	[smem:$0x3FBA] =	sst s10  }
0x35: {  	s10 =	sld [smem:$0x3FB9];
	_ =	sdelay $0x3  }
0x36: {  	p1 =	seq.s32 s10, $0x1;
	s10 =	sld [smem:$0x3FBA];
	_ =	sdelay $0x3  }
0x37: {  	[smem:$0x3FBA] =	sst s10  }
0x38: {  	s10 =	sld [smem:$0x3FBB]  }
0x39: {  	_ = 	snop;
	(pc) =	sbr.ind lr, $3  }
0x3a: {  	_ = 	snop  }
0x3b: {  	_ = 	snop  }
0x3c: {  	p2 =	seq.s32 s10, $0x1;
	s10 =	sld [smem:$0x3FBA]  }
0x3d: {  	_ =	shalt  }
0x3e: {  	_ =	shalt  }
0x3f: {  	_ =	shalt  }
0x40: {  	_ =	shalt  }
0x41: {  	_ =	shalt  }
0x42: {  	_ =	shalt  }
0x43: {  	_ =	shalt  }
0x44: {  	_ =	shalt  }
0x45: {  	_ =	shalt  }
0x46: {  	_ =	shalt  }
0x47: {  	_ =	shalt  }
0x48: {  	_ =	shalt  }
0x49: {  	_ =	shalt  }
0x4a: {  	_ =	shalt  }
0x4b: {  	_ =	shalt  }
0x4c: {  	_ =	shalt  }
0x4d: {  	_ =	shalt  }
0x4e: {  	_ =	shalt  }
0x4f: {  	_ =	shalt  }
0x50: {  	_ =	shalt  }
0x51: {  	_ =	shalt  }
0x52: {  	_ =	shalt  }
0x53: {  	_ =	shalt  }
0x54: {  	_ =	shalt  }
0x55: {  	_ =	shalt  }
0x56: {  	_ =	shalt  }
0x57: {  	_ =	shalt  }
0x58: {  	_ =	shalt  }
0x59: {  	_ =	shalt  }
0x5a: {  	_ =	shalt  }
0x5b: {  	_ =	shalt  }
0x5c: {  	_ =	shalt  }
0x5d: {  	_ =	shalt  }
0x5e: {  	_ =	shalt  }
0x5f: {  	_ =	shalt  }
0x60: {  	_ =	shalt  }
0x61: {  	_ =	shalt  }
0x62: {  	_ =	shalt  }
0x63: {  	_ =	shalt  }
0x64: {  	_ =	shalt  }
0x65: {  	_ =	shalt  }
0x66: {  	_ =	shalt  }
0x67: {  	_ =	shalt  }
0x68: {  	_ =	shalt  }
0x69: {  	_ =	shalt  }
0x6a: {  	_ =	shalt  }
0x6b: {  	_ =	shalt  }
0x6c: {  	_ =	shalt  }
0x6d: {  	_ =	shalt  }
0x6e: {  	_ =	shalt  }
0x6f: {  	_ =	shalt  }
0x70: {  	_ =	shalt  }
0x71: {  	_ =	shalt  }
0x72: {  	_ =	shalt  }
0x73: {  	_ =	shalt  }
0x74: {  	_ =	shalt  }
0x75: {  	_ =	shalt  }
0x76: {  	_ =	shalt  }
0x77: {  	_ =	shalt  }
0x78: {  	_ =	shalt  }
0x79: {  	_ =	shalt  }
0x7a: {  	_ =	shalt  }
0x7b: {  	_ =	shalt  }
0x7c: {  	_ =	shalt  }
0x7d: {  	_ =	shalt  }
0x7e: {  	_ =	shalt  }
0x7f: {  	_ =	shalt  }
0x80: {  	_ =	shalt  }
0x81: {  	_ =	shalt  }
0x82: {  	_ =	shalt  }
0x83: {  	_ =	shalt  }
0x84: {  	_ =	shalt  }
0x85: {  	_ =	shalt  }
0x86: {  	_ =	shalt  }
0x87: {  	_ =	shalt  }
.Lfunc_end0:
.L_simem_size_0:
called_computation_lowered:
.L_overlay_start_0:
0x88: {  	s2 =	sld [smem:$0x3FD9]  }
0x89: {  	s3 =	sld [smem:$0x3FFE];
	_ =	sdelay $0x1  }
0x8a: {  	s1 =	srdreg.scid  }
0x8b: {  	s0 =	sand.u32 $0x1, s1  }
0x8c: {  	s18 =	sshll.u32 s0, $0xA;
	s2 =	sadd.s32 s3, s2  }
0x8d: {  	s3 =	sadd.s32 s2, s18  }
0x8e: {  	[smem:$0x3FC6] =	sst s3  }
0x8f: {  	_ = 	snop  }
0x90: {  	s3 =	sld [smem:$0x3FD0];
	(tm) =	ssettm $0x1  }
0x91: {  	s4 =	sld [smem:$0x3FFB];
	_ =	sdelay $0x3  }
0x92: {  	_ =	strace s4  }
0x93: {  	s4 =	sld [smem:$0x3FFC];
	_ =	sdelay $0x3  }
0x94: {  	_ =	strace s4  }
0x95: {  	s4 =	sld [smem:$0x3FFD];
	_ =	sdelay $0x3  }
0x96: {  	_ =	strace s4  }
0x97: {  	_ =	strace $0x8FFFFFFF  }
0x98: {  	s19 =	sld [smem:$0x3FDB];
	_ =	sdelay $0x1  }
0x99: {  	s5 =	simm.s32 $_scs_section_size  }
0x9a: {  	s6 =	simm.s32 $_size__tile_overlayer_lowered;
	s7 =	simm.s32 $_tile_overlayer_lowered  }
0x9b: {  	s22 =	simm.s32 $0x1BFF;
	s21 =	sshll.u32 s7, $0x1;
	s4 =	sadd.s32 s5, s19  }
0x9c: {  	s8 =	simm.s32 $0x0;
	s20 =	sshll.u32 s6, $0x1;
	s6 =	sadd.s32 s21, s4  }
0x9d: {  	[timem:s8], [sflag:s22] =	dma.local [hbm:s6], s20  }
0x9e: {  	_ =	swait.ge [sflag:s22], s20  }
0x9f: {  	s5 =	ssub.s32 $0x0, s20;
	[sflag:s22] =	ssyncset.done $0x0  }
0xa0: {  	[sflag:s22] =	ssyncadd.s32 s5;
	_ =	sdelay $0x1  }
0xa1: {  	s23 =	simm.s32 $0x1B8B  }
0xa2: {  	_ =	swait.ge [sflag:s23], $0x1  }
0xa3: {  	[sflag:s23] =	ssyncset.done $0x0  }
0xa4: {  	s25 =	simm.s32 $0x1B8E;
	s24 =	sld [smem:$0x3FFE];
	[sflag:s23] =	ssyncadd.s32 $0xFFFFFFFF  }
0xa5: {  	s26 =	simm.s32 $execute0_lowered;
	[smem:$0x3FD2] =	sst s25  }
0xa6: {  	s6 =	sshll.u32 s26, $0x1;
	_ =	strace $0x80000046;
	[dreg:$0x1] =	wrdreg $0xFFFFFFFF  }
0xa7: {  	s28 =	simm.s32 $_size_execute0_lowered;
	s4 =	sadd.s32 s4, s6;
	[dreg:$0x0] =	wrdreg $0x0  }
0xa8: {  	s6 =	sshll.u32 s28, $0x1;
	[dreg:$0x2] =	wrdreg s4  }
0xa9: {  	[dreg:$0x3] =	wrdreg s6  }
0xaa: {  	[dreg:$0x4] =	wrdreg $0xC0  }
0xab: {  	_ =	task [dreg:s8], $0x5FFFF  }
0xac: {  	[dreg:$0x1] =	wrdreg $0xFFFFFFFF  }
0xad: {  	[dreg:$0x0] =	wrdreg $0x60  }
0xae: {  	[dreg:$0x2] =	wrdreg s24  }
0xaf: {  	s2 =	sadd.s32 $0x800, s2;
	[dreg:$0x3] =	wrdreg s3  }
0xb0: {  	[dreg:$0x4] =	wrdreg s2  }
0xb1: {  	[dreg:$0x5] =	wrdreg $0x9  }
0xb2: {  	_ =	task.clear_ibuf [dreg:s8], $0x6FFFF;
	_ =	strace $0x90000046  }
0xb3: {  	s29 =	simm.s32 $0x9;
	_ =	strace $0x80000048  }
0xb4: {  	_ =	swait.ge [sflag:s29], $0x1  }
0xb5: {  	[sflag:s29] =	ssyncadd.s32 $0xFFFFFFFF  }
0xb6: {  	_ =	strace $0x90000048  }
0xb7: {  	_ =	sfence  }
0xb8: {  	s30 =	sld [smem:$0x0];
	_ =	sdelay $0x2  }
0xb9: {  	s31 =	sshll.u32 s1, $0xD;
	s1 =	sshrl.u32 s1, $0x2  }
0xba: {  	s3 =	sand.u32 $0x4000, s31;
	s1 =	sadd.s32 s1, s30  }
0xbb: {  	s0 =	sor.u32 s3, s0;
	s1 =	sshll.u32 s1, $0x11  }
0xbc: {  	s0 =	sor.u32 s1, s0  }
0xbd: {  	s0 =	sadd.s32 $0x8F2B, s0  }
0xbe: {  	[sflag:s0] =	ssyncadd.remote.s32 $0x1  }
0xbf: {  	_ =	sfence.sel $0xFFFF  }
0xc0: {  	[dreg:$0x0] =	wrdreg $0xFFFFFFFF;
	(pc) =	sbr.abs _section_cstart, $3  }
0xc1: {  	[dreg:$0x1] =	wrdreg $0xFFFFFFFF  }
0xc2: {  	_ =	task.clear_ibuf [dreg:s8], $0x2FFFF;
	_ =	strace $0x9FFFFFFF  }
0xc3: {  	(tm) =	ssettm $0x7FFFFFFF  }
tec
execute0_lowered:
.L_overlay_start_1:
0x0: {  	(tag) =	ssettag $0x1  }
0x1: {  	s1 =	rddreg [dreg:$0x0]  }
0x2: {  	s0 =	srdreg.scid;
	s11 =	rddreg [dreg:$0x1]  }
0x3: {  	s12 =	stileid.u32;
	s13 =	rddreg [dreg:$0x2]  }
0x4: {  	s16 =	simm.s32 $0x80;
	s17 =	simm.s32 $0x6400;
	s18 =	simm.s32 $0xA400  }
0x5: {  	s20 =	simm.s32 $0xE400;
	s22 =	simm.s32 $0x12400;
	s23 =	simm.s32 $0x1  }
0x6: {  	s28 =	simm.s32 $0x5;
	s29 =	simm.s32 $0x6;
	s30 =	simm.s32 $0x7  }
0x7: {  	s31 =	simm.s32 $0x8;
	s0 =	sand.u32 $0x1, s0;
	s10 =	smul.u32 $0x320000, s12  }
0x8: {  	s15 =	sshll.u32 s12, $0xA;
	s2 =	sshll.u32 s0, $0x4;
	s8 =	smul.u32 $0x3200000, s0  }
0x9: {  	s5 =	ssub.s32 $0x2, s0;
	s14 =	sshll.u32 s0, $0xE;
	s0 =	smul.u32 $0x640000, s0  }
0xa: {  	s3 =	sor.u32 s12, s2;
	s2 =	simm.s32 $0x0;
	s12 =	smul.u32 $0x64000, s12  }
0xb: {  	s6 =	sshrl.u32 s5, $0x1;
	s13 =	sadd.s32 s14, s13;
	s4 =	smul.u32 $0x6400, s3  }
0xc: {  	s14 =	simm.s32 $0x9;
	[smem:$0x7FF] =	sst s2;
	s7 =	smul.u32 $0x320000, s3  }
0xd: {  	s9 =	ssub.s32 s5, s6;
	s10 =	sadd.s32 s10, s8;
	s0 =	sadd.s32 s0, s11  }
0xe: {  	_ =	strace $0x80000047;
	s26 =	sshrl.u32 s10, $0x3;
	s4 =	sshrl.u32 s4, $0x3  }
0xf: {  	s9 =	smax.u32 s9, $0x1;
	s4 =	sadd.s32 s4, s1;
	s1 =	sadd.s32 s15, s1  }
0x10: {  	s24 =	sshrl.u32 s7, $0x3;
	s10 =	sadd.s32 s26, s11;
	s1 =	sadd.s32 $0x19400, s1  }
0x11: {  	s26 =	simm.s32 $0x4;
	s25 =	sadd.s32 $0x400, s4;
	[dreg:$0x4] =	wrdreg s1  }
0x12: {  	s15 =	sadd.s32 s15, s13;
	s1 =	sadd.s32 s11, s24;
	[dreg:$0x5] =	wrdreg s25  }
0x13: {  	s11 =	sadd.s32 s12, s0;
	s12 =	simm.s32 $0x16400;
	s24 =	simm.s32 $0x2  }
0x14: {  	s25 =	simm.s32 $0x3;
	s5 =	sadd.s32 $0x62000, s1;
	s6 =	sadd.s32 $0x62800, s1  }
0x15: {  	s7 =	sadd.s32 $0x63000, s1;
	s8 =	sadd.s32 $0x63800, s1;
	s1 =	simm.s32 $0x0  }
.LBB2_1:
0x16: {  	s0 =	rddreg [dreg:$0x4]  }
0x17: {  	[tilespmem:s12], [sflag:$0x9] =	stream.linear.gather [hbm4b:s0+s2], $0x2000, $0x38;
	[tilespmem:$0x18400] =	vst v63  }
0x18: {  	_ =	swait.ge [sflag:s14], $0x2000  }
0x19: {  	[sflag:s14] =	ssyncset.done $0x0  }
0x1a: {  	s0 =	simm.s32 $0x0;
	[sflag:s14] =	ssyncadd.s32 $0xFFFFE000  }
0x1b: {  	v0 =	vld [tilespmem:s0+$0x16400]  }
0x1c: {  	v2 =	vld [tilespmem:s0+$0x16410]  }
0x1d: {  	s19 =	simm.s32 $0x200;
	v1 =	vld [tilespmem:s0+$0x16420]  }
.LBB2_2:
0x1e: {  	p0 =	sne.s32 s19, $0x7E00;
	v3 =	vld [tilespmem:s0+$0x16430];
	_ =	sdelay $0x1  }
0x1f: {  	v0 =	vmul.f32 $8.000000000e+00, v0  }
.Ltmp0:
0x20: {  	v2 =	vmul.f32 $8.000000000e+00, v2;
	(pc) =	sbr.rel @p0 .LBB2_2-.Ltmp0, $4  }
0x21: {  	s21 =	sshra.s32 s19, $0x2;
	[tilespmem:s0+$0x16400] =	vst v0;
	v1 =	vmul.f32 $8.000000000e+00, v1  }
0x22: {  	v0 =	vld [tilespmem:s21+$0x16400];
	[tilespmem:s0+$0x16410] =	vst v2;
	v3 =	vmul.f32 $8.000000000e+00, v3  }
0x23: {  	v2 =	vld [tilespmem:s21+$0x16410];
	[tilespmem:s0+$0x16420] =	vst v1  }
0x24: {  	s19 =	sadd.s32 $0x200, s19;
	v1 =	vld [tilespmem:s21+$0x16420];
	[tilespmem:s0+$0x16430] =	vst v3;
	s0 =	smov.u32 s21  }
0x25: {  	v3 =	vld [tilespmem:s0+$0x16430];
	_ =	sdelay $0x1  }
0x26: {  	v0 =	vmul.f32 $8.000000000e+00, v0  }
0x27: {  	v2 =	vmul.f32 $8.000000000e+00, v2  }
0x28: {  	[tilespmem:s0+$0x16400] =	vst v0;
	v62 =	vmul.f32 $8.000000000e+00, v1  }
0x29: {  	[tilespmem:s0+$0x16410] =	vst v2;
	v63 =	vmul.f32 $8.000000000e+00, v3  }
0x2a: {  	[tilespmem:s0+$0x16420] =	vst v62  }
0x2b: {  	s21 =	simm.s32 $0x0;
	[tilespmem:s0+$0x16430] =	vst v63  }
0x2c: {  	[hbm4b:s15+s21] =	stream.linear.scatter [tilespmem:s12], [sflag:$0x9], $0x2000, $0x38;
	[tilespmem:$0x18400] =	vst v63  }
0x2d: {  	_ =	swait.ge [sflag:s14], $0x2000  }
0x2e: {  	[sflag:s14] =	ssyncset.done $0x0  }
0x2f: {  	[sflag:s14] =	ssyncadd.s32 $0xFFFFE000  }
0x30: {  	[bflag:$0x0] =	sbarrier.arrive $0xFFFF  }
0x31: {  	s3 =	rddreg [dreg:$0x5]  }
0x32: {  	[tilespmem:s21], [sflag:$0x9] =	stream.linear.gather [hbm4b:s3+s21], $0x6400, $0x38;
	[tilespmem:$0x18400] =	vst v63  }
0x33: {  	_ =	swait.ge [sflag:s14], $0x6400  }
0x34: {  	[sflag:s14] =	ssyncset.done $0x0  }
0x35: {  	[sflag:s14] =	ssyncadd.s32 $0xFFFF9C00  }
0x36: {  	[tilespmem:s17], [sflag:$0x1] =	stream.indirect.gather [hbm4b:s13+s16], $0x40, s21, s16, $0xb8;
	[tilespmem:$0x18400] =	vst v63  }
0x37: {  	_ = 	snop  }
0x38: {  	[tilespmem:s18], [sflag:$0x2] =	stream.indirect.gather [hbm4b:s13+s16], $0x40, s16, s16, $0xb8;
	[tilespmem:$0x18400] =	vst v63  }
0x39: {  	s3 =	simm.s32 $0x100  }
0x3a: {  	[tilespmem:s20], [sflag:$0x3] =	stream.indirect.gather [hbm4b:s13+s16], $0x40, s3, s16, $0xb8;
	[tilespmem:$0x18400] =	vst v63  }
0x3b: {  	s4 =	simm.s32 $0x180  }
0x3c: {  	[tilespmem:s22], [sflag:$0x4] =	stream.indirect.gather [hbm4b:s13+s16], $0x40, s4, s16, $0xb8;
	[tilespmem:$0x18400] =	vst v63  }
0x3d: {  	_ =	swait.ge [sflag:s23], $0x2000  }
0x3e: {  	[sflag:s23] =	ssyncset.done $0x0  }
0x3f: {  	s19 =	sadd.s32 $0x0, s10;
	[sflag:s23] =	ssyncadd.s32 $0xFFFFE000  }
0x40: {  	[hbm4b:s19+s2] =	stream.linear.scatter [tilespmem:s17], [sflag:$0x5], $0x4000, $0x38;
	[tilespmem:$0x18400] =	vst v63  }
0x41: {  	_ =	swait.ge [sflag:s24], $0x2000  }
0x42: {  	s21 =	sadd.s32 $0x0, s11;
	[sflag:s24] =	ssyncset.done $0x0  }
0x43: {  	s19 =	sadd.s32 $0x800, s21;
	[sflag:s24] =	ssyncadd.s32 $0xFFFFE000  }
0x44: {  	[hbm4b:s19+s2] =	stream.linear.scatter [tilespmem:s18], [sflag:$0x6], $0x4000, $0x38;
	[tilespmem:$0x18400] =	vst v63  }
0x45: {  	_ =	swait.ge [sflag:s25], $0x2000  }
0x46: {  	[sflag:s25] =	ssyncset.done $0x0  }
0x47: {  	s3 =	sadd.s32 $0x1000, s21;
	[sflag:s25] =	ssyncadd.s32 $0xFFFFE000  }
0x48: {  	[hbm4b:s3+s2] =	stream.linear.scatter [tilespmem:s20], [sflag:$0x7], $0x4000, $0x38;
	[tilespmem:$0x18400] =	vst v63  }
0x49: {  	_ =	swait.ge [sflag:s26], $0x2000  }
0x4a: {  	[sflag:s26] =	ssyncset.done $0x0  }
0x4b: {  	s0 =	sadd.s32 $0x1800, s21;
	[sflag:s26] =	ssyncadd.s32 $0xFFFFE000  }
0x4c: {  	[hbm4b:s0+s2] =	stream.linear.scatter [tilespmem:s22], [sflag:$0x8], $0x4000, $0x38;
	[tilespmem:$0x18400] =	vst v63  }
0x4d: {  	_ =	swait.ge [sflag:s28], $0x4000  }
0x4e: {  	[sflag:s28] =	ssyncset.done $0x0  }
0x4f: {  	s4 =	simm.s32 $0x200;
	[sflag:s28] =	ssyncadd.s32 $0xFFFFC000  }
0x50: {  	[tilespmem:s17], [sflag:$0x1] =	stream.indirect.gather [hbm4b:s13+s16], $0x40, s4, s16, $0xb8;
	[tilespmem:$0x18400] =	vst v63  }
0x51: {  	_ =	swait.ge [sflag:s29], $0x4000  }
0x52: {  	[sflag:s29] =	ssyncset.done $0x0  }
0x53: {  	s19 =	simm.s32 $0x280;
	[sflag:s29] =	ssyncadd.s32 $0xFFFFC000  }
0x54: {  	[tilespmem:s18], [sflag:$0x2] =	stream.indirect.gather [hbm4b:s13+s16], $0x40, s19, s16, $0xb8;
	[tilespmem:$0x18400] =	vst v63  }
0x55: {  	_ =	swait.ge [sflag:s30], $0x4000  }
0x56: {  	[sflag:s30] =	ssyncset.done $0x0  }
0x57: {  	s21 =	simm.s32 $0x300;
	[sflag:s30] =	ssyncadd.s32 $0xFFFFC000  }
0x58: {  	[tilespmem:s20], [sflag:$0x3] =	stream.indirect.gather [hbm4b:s13+s16], $0x40, s21, s16, $0xb8;
	[tilespmem:$0x18400] =	vst v63  }
0x59: {  	_ =	swait.ge [sflag:s31], $0x4000  }
0x5a: {  	s0 =	simm.s32 $0x380;
	[sflag:s31] =	ssyncset.done $0x0  }
0x5b: {  	s19 =	simm.s32 $0x2000;
	s21 =	simm.s32 $0x580;
	[sflag:s31] =	ssyncadd.s32 $0xFFFFC000  }
.LBB2_4:
0x5c: {  	[tilespmem:s22], [sflag:$0x4] =	stream.indirect.gather [hbm4b:s13+s16], $0x40, s0, s16, $0xb8;
	[tilespmem:$0x18400] =	vst v63  }
0x5d: {  	s3 =	smov.u32 s19;
	s0 =	smov.u32 s21  }
0x5e: {  	p0 =	sne.s32 s19, $0x60000;
	s19 =	sadd.s32 $0x2000, s19;
	_ =	swait.ge [sflag:s23], $0x2000  }
0x5f: {  	[sflag:s23] =	ssyncset.done $0x0  }
0x60: {  	s4 =	sadd.s32 s3, s10;
	[sflag:s23] =	ssyncadd.s32 $0xFFFFE000  }
0x61: {  	[hbm4b:s4+s2] =	stream.linear.scatter [tilespmem:s17], [sflag:$0x5], $0x4000, $0x38;
	[tilespmem:$0x18400] =	vst v63  }
0x62: {  	_ =	swait.ge [sflag:s24], $0x2000  }
0x63: {  	s3 =	sadd.s32 s3, s11;
	[sflag:s24] =	ssyncset.done $0x0  }
0x64: {  	s4 =	sadd.s32 $0x800, s3;
	[sflag:s24] =	ssyncadd.s32 $0xFFFFE000  }
0x65: {  	[hbm4b:s4+s2] =	stream.linear.scatter [tilespmem:s18], [sflag:$0x6], $0x4000, $0x38;
	[tilespmem:$0x18400] =	vst v63  }
0x66: {  	_ =	swait.ge [sflag:s25], $0x2000  }
0x67: {  	[sflag:s25] =	ssyncset.done $0x0  }
0x68: {  	s4 =	sadd.s32 $0x1000, s3;
	[sflag:s25] =	ssyncadd.s32 $0xFFFFE000  }
0x69: {  	[hbm4b:s4+s2] =	stream.linear.scatter [tilespmem:s20], [sflag:$0x7], $0x4000, $0x38;
	[tilespmem:$0x18400] =	vst v63  }
0x6a: {  	_ =	swait.ge [sflag:s26], $0x2000  }
0x6b: {  	[sflag:s26] =	ssyncset.done $0x0  }
0x6c: {  	s3 =	sadd.s32 $0x1800, s3;
	[sflag:s26] =	ssyncadd.s32 $0xFFFFE000  }
0x6d: {  	[hbm4b:s3+s2] =	stream.linear.scatter [tilespmem:s22], [sflag:$0x8], $0x4000, $0x38;
	[tilespmem:$0x18400] =	vst v63  }
0x6e: {  	_ =	swait.ge [sflag:s28], $0x4000  }
0x6f: {  	[sflag:s28] =	ssyncset.done $0x0  }
0x70: {  	s3 =	sadd.s32 $0xFFFFFE80, s21;
	[sflag:s28] =	ssyncadd.s32 $0xFFFFC000  }
0x71: {  	[tilespmem:s17], [sflag:$0x1] =	stream.indirect.gather [hbm4b:s13+s16], $0x40, s3, s16, $0xb8;
	[tilespmem:$0x18400] =	vst v63  }
0x72: {  	_ =	swait.ge [sflag:s29], $0x4000  }
0x73: {  	[sflag:s29] =	ssyncset.done $0x0  }
0x74: {  	s3 =	sadd.s32 $0xFFFFFF00, s21;
	[sflag:s29] =	ssyncadd.s32 $0xFFFFC000  }
0x75: {  	[tilespmem:s18], [sflag:$0x2] =	stream.indirect.gather [hbm4b:s13+s16], $0x40, s3, s16, $0xb8;
	[tilespmem:$0x18400] =	vst v63  }
0x76: {  	_ =	swait.ge [sflag:s30], $0x4000  }
0x77: {  	[sflag:s30] =	ssyncset.done $0x0  }
.Ltmp1:
0x78: {  	s3 =	sadd.s32 $0xFFFFFF80, s21;
	[sflag:s30] =	ssyncadd.s32 $0xFFFFC000;
	(pc) =	sbr.rel @p0 .LBB2_4-.Ltmp1, $4  }
0x79: {  	[tilespmem:s20], [sflag:$0x3] =	stream.indirect.gather [hbm4b:s13+s16], $0x40, s3, s16, $0xb8;
	[tilespmem:$0x18400] =	vst v63  }
0x7a: {  	_ =	swait.ge [sflag:s31], $0x4000  }
0x7b: {  	[sflag:s31] =	ssyncset.done $0x0  }
0x7c: {  	s21 =	sadd.s32 $0x200, s21;
	[sflag:s31] =	ssyncadd.s32 $0xFFFFC000  }
0x7d: {  	[tilespmem:s22], [sflag:$0x4] =	stream.indirect.gather [hbm4b:s13+s16], $0x40, s0, s16, $0xb8;
	[tilespmem:$0x18400] =	vst v63  }
0x7e: {  	_ =	swait.ge [sflag:s23], $0x2000  }
0x7f: {  	[sflag:s23] =	ssyncset.done $0x0  }
0x80: {  	[sflag:s23] =	ssyncadd.s32 $0xFFFFE000  }
0x81: {  	[hbm4b:s5+s2] =	stream.linear.scatter [tilespmem:s17], [sflag:$0x5], $0x4000, $0x38;
	[tilespmem:$0x18400] =	vst v63  }
0x82: {  	_ =	swait.ge [sflag:s24], $0x2000  }
0x83: {  	[sflag:s24] =	ssyncset.done $0x0  }
0x84: {  	[sflag:s24] =	ssyncadd.s32 $0xFFFFE000  }
0x85: {  	[hbm4b:s6+s2] =	stream.linear.scatter [tilespmem:s18], [sflag:$0x6], $0x4000, $0x38;
	[tilespmem:$0x18400] =	vst v63  }
0x86: {  	_ =	swait.ge [sflag:s25], $0x2000  }
0x87: {  	[sflag:s25] =	ssyncset.done $0x0  }
0x88: {  	[sflag:s25] =	ssyncadd.s32 $0xFFFFE000  }
0x89: {  	[hbm4b:s7+s2] =	stream.linear.scatter [tilespmem:s20], [sflag:$0x7], $0x4000, $0x38;
	[tilespmem:$0x18400] =	vst v63  }
0x8a: {  	_ =	swait.ge [sflag:s26], $0x2000  }
0x8b: {  	[sflag:s26] =	ssyncset.done $0x0  }
0x8c: {  	[sflag:s26] =	ssyncadd.s32 $0xFFFFE000  }
0x8d: {  	[hbm4b:s8+s2] =	stream.linear.scatter [tilespmem:s22], [sflag:$0x8], $0x4000, $0x38;
	[tilespmem:$0x18400] =	vst v63  }
0x8e: {  	_ =	swait.ge [sflag:s28], $0x4000  }
0x8f: {  	[sflag:s28] =	ssyncset.done $0x0  }
0x90: {  	[sflag:s28] =	ssyncadd.s32 $0xFFFFC000  }
0x91: {  	_ =	swait.ge [sflag:s29], $0x4000  }
0x92: {  	[sflag:s29] =	ssyncset.done $0x0  }
0x93: {  	s1 =	sadd.s32 $0x1, s1;
	[sflag:s29] =	ssyncadd.s32 $0xFFFFC000  }
0x94: {  	p0 =	sne.s32 s1, s9;
	_ =	swait.ge [sflag:s30], $0x4000  }
.Ltmp2:
0x95: {  	[sflag:s30] =	ssyncset.done $0x0;
	(pc) =	sbr.rel @p0 .LBB2_1-.Ltmp2, $4  }
0x96: {  	[sflag:s30] =	ssyncadd.s32 $0xFFFFC000  }
0x97: {  	_ =	swait.ge [sflag:s31], $0x4000  }
0x98: {  	[sflag:s31] =	ssyncset.done $0x0  }
0x99: {  	[sflag:s31] =	ssyncadd.s32 $0xFFFFC000  }
0x9a: {  	_ =	sfence.sel $0x180000  }
0x9b: {  	[bflag:$0x0] =	sbarrier.arrive $0xFFFF  }
0x9c: {  	_ =	strace $0x90000047  }
0x9d: {  	s0 =	stileid.u32;
	[bflag:$0x2] =	sbarrier.arrive $0xFFFF  }
0x9e: {  	p0 =	sne.s32 s0, $0x0;
	s0 =	rddreg [dreg:$0x3]  }
0x9f: {  	s0 =	sadd.s32 @!p0 $0x100000, s0  }
0xa0: {  	[sflag:s0] =	ssyncadd.tile.s32 @!p0 $0x1;
	_ =	shalt  }
.Lfunc_end2:
_tile_overlayer_lowered:
.L_overlay_start_2:
0xa1: {  	(tag) =	ssettag $0x2  }
0xa2: {  	s0 =	rddreg [dreg:$0x0];
	s2 =	stileid.u32  }
0xa3: {  	s1 =	rddreg [dreg:$0x1];
	p0 =	sne.s32 s2, $0x0  }
0xa4: {  	s3 =	rddreg [dreg:$0x2];
	[bflag:$0x3] =	sbarrier.arrive $0xFFFF;
	s2 =	simm.s32 @!p0 $0x1C09  }
0xa5: {  	[timem:s3], [sflag:s2] =	dma.local @!p0 [hbm:s0], s1  }
0xa6: {  	s0 =	simm.s32 @!p0 $0x9  }
0xa7: {  	_ =	swait.ge @!p0 [sflag:s0], s1  }
0xa8: {  	s1 =	ssub.s32 @!p0 $0x0, s1;
	[sflag:s0] =	ssyncset.done @!p0 $0x0  }
0xa9: {  	[sflag:s0] =	ssyncadd.s32 @!p0 s1  }
0xaa: {  	[bflag:$0x3] =	sbarrier.arrive $0xFFFF  }
0xab: {  	_ =	shalt  }

</sc_bundles>
